<compile_context>
chip_gen: v7x
topology: tpu7x:2x2x1
jax: 0.10.2.dev20260603
libtpu: 0.0.44.dev20260713+nightly
codegen_flags: <defaults>
</compile_context>

<pallas_src>
import functools
import jax
import jax.numpy as jnp
from jax import lax
from jax.experimental import pallas as pl
from jax.experimental.pallas import tpu as pltpu
from jax.experimental.pallas import tpu_sc as plsc

N_CLS_CTX = 4
CTX_DIM = 512
SEQ_LEN = 77
N_PRE = N_CLS_CTX + 1
N_SUF = SEQ_LEN - 2 * N_CLS_CTX - 1


def kernel(vehicle_ids, tokenized_prompts, token_embedding, cls_ctx):
    B = tokenized_prompts.shape[0]
    info = plsc.get_sparse_core_info()
    nc, ns = info.num_cores, info.num_subcores
    nw = nc * ns
    n_per_w = B // nw

    tp = tokenized_prompts.astype(jnp.int32)
    tp_pre = tp[:, :N_PRE]
    tp_suf = tp[:, N_PRE + N_CLS_CTX:]
    cls2d = cls_ctx.reshape(cls_ctx.shape[0] * N_CLS_CTX, CTX_DIM)
    vid4 = (vehicle_ids.astype(jnp.int32)[:, None] * N_CLS_CTX
            + jnp.arange(N_CLS_CTX, dtype=jnp.int32)[None, :])

    mesh = plsc.VectorSubcoreMesh(core_axis_name="c", subcore_axis_name="s")

    @functools.partial(
        pl.kernel,
        mesh=mesh,
        compiler_params=pltpu.CompilerParams(use_tc_tiling_on_sc=False),
        out_type=jax.ShapeDtypeStruct((B, SEQ_LEN, CTX_DIM), jnp.float32),
        scratch_types=[
            pltpu.VMEM((n_per_w, N_PRE), jnp.int32),
            pltpu.VMEM((n_per_w, N_SUF), jnp.int32),
            pltpu.VMEM((n_per_w, N_CLS_CTX), jnp.int32),
            pltpu.VMEM((SEQ_LEN, CTX_DIM), jnp.float32),
            pltpu.VMEM((SEQ_LEN, CTX_DIM), jnp.float32),
            pltpu.VMEM((SEQ_LEN, CTX_DIM), jnp.float32),
            pltpu.SemaphoreType.DMA,
            pltpu.SemaphoreType.DMA,
            pltpu.SemaphoreType.DMA,
            pltpu.SemaphoreType.DMA,
        ],
    )
    def prompt_gather(pre_hbm, suf_hbm, vid4_hbm, te_hbm, cls_hbm, out_hbm,
                      pre_v, suf_v, vid4_v, rows0, rows1, rows2,
                      gsem, ssem0, ssem1, ssem2):
        wid = lax.axis_index("s") * nc + lax.axis_index("c")
        base = wid * n_per_w
        pltpu.sync_copy(pre_hbm.at[pl.ds(base, n_per_w), :], pre_v)
        pltpu.sync_copy(suf_hbm.at[pl.ds(base, n_per_w), :], suf_v)
        pltpu.sync_copy(vid4_hbm.at[pl.ds(base, n_per_w), :], vid4_v)

        def one_item(k, i, rows_v, ssem):
            b = base + i
            @pl.when(k > 0)
            def _():
                pltpu.make_async_copy(rows_v, out_hbm.at[b], ssem).wait()
            g1 = pltpu.async_copy(te_hbm.at[pre_v.at[i]],
                                  rows_v.at[pl.ds(0, N_PRE)], gsem)
            g2 = pltpu.async_copy(cls_hbm.at[vid4_v.at[i]],
                                  rows_v.at[pl.ds(N_PRE, N_CLS_CTX)], gsem)
            g3 = pltpu.async_copy(te_hbm.at[suf_v.at[i]],
                                  rows_v.at[pl.ds(N_PRE + N_CLS_CTX, N_SUF)],
                                  gsem)
            g1.wait()
            g2.wait()
            g3.wait()
            pltpu.async_copy(rows_v, out_hbm.at[b], ssem)

        def body(k, carry):
            one_item(k, 3 * k, rows0, ssem0)
            one_item(k, 3 * k + 1, rows1, ssem1)
            one_item(k, 3 * k + 2, rows2, ssem2)
            return carry

        n_loop = n_per_w // 3
        lax.fori_loop(0, n_loop, body, 0)
        for t, (rv, sv) in enumerate(((rows0, ssem0), (rows1, ssem1))):
            if 3 * n_loop + t < n_per_w:
                one_item(1, 3 * n_loop + t, rv, sv)
        pltpu.make_async_copy(rows0, out_hbm.at[base], ssem0).wait()
        pltpu.make_async_copy(rows1, out_hbm.at[base], ssem1).wait()
        pltpu.make_async_copy(rows2, out_hbm.at[base], ssem2).wait()

    return prompt_gather(tp_pre, tp_suf, vid4, token_embedding, cls2d)

# --- scband reference (transcript-rebuilt; emitter-appended) ---
"""Pipeline reference for scband-prompt-learner-85847806312607 (READ-ONLY COPY).

The authoritative reference and input builder live on the scoring server;
editing this copy changes nothing except your own understanding.
"""

import jax, jax.numpy as jnp
import numpy as np

N_CLS_CTX = 4
CTX_DIM = 512
SEQ_LEN = 77
VOCAB = 49408
NUM_CLASS = 13164
BATCH = 4096

def setup_inputs(seed: int = 0) -> dict:
    key = jax.random.key(seed)
    k1, k2, k3, k4 = jax.random.split(key, 4)
    vehicle_ids = jax.random.randint(k1, (BATCH,), 0, NUM_CLASS, dtype=jnp.int64 if jax.config.jax_enable_x64 else jnp.int32)
    tokenized_prompts = jax.random.randint(k2, (BATCH, SEQ_LEN), 0, VOCAB, dtype=jnp.int64 if jax.config.jax_enable_x64 else jnp.int32)
    token_embedding = jax.random.normal(k3, (VOCAB, CTX_DIM), dtype=jnp.float32)
    cls_ctx = jax.random.normal(k4, (NUM_CLASS, N_CLS_CTX, CTX_DIM), dtype=jnp.float32) * 0.02
    return {
        "vehicle_ids": vehicle_ids,
        "tokenized_prompts": tokenized_prompts,
        "token_embedding": token_embedding,
        "cls_ctx": cls_ctx,
    }

def reference(vehicle_ids, tokenized_prompts, token_embedding, cls_ctx):
    # token embedding lookup (done under no_grad in the original module)
    embedding = jnp.take(token_embedding, tokenized_prompts, axis=0)  # [B, 77, 512]
    n_cls_ctx = N_CLS_CTX
    prefix = embedding[:, : n_cls_ctx + 1, :]                 # [B, 5, 512]
    suffix = embedding[:, n_cls_ctx + 1 + n_cls_ctx :, :]     # [B, 68, 512]
    ctx = jnp.take(cls_ctx, vehicle_ids, axis=0)              # [B, 4, 512]
    prompts = jnp.concatenate([prefix, ctx, suffix], axis=1)  # [B, 77, 512]
    return prompts

if __name__ == "__main__":
    import jax
    _d = setup_inputs()
    print(jax.jit(kernel)(*tuple(_d.values())))

</pallas_src>

<mosaic_0001>
#map = affine_map<(d0, d1) -> (0, 0)>
#map1 = affine_map<(d0, d1) -> (0, 0, 0)>
module attributes {stable_mosaic.version = 14 : i64} {
  func.func @prompt_gather(%arg0: i32, %arg1: i32, %arg2: memref<4096x5xi32, #tpu.memory_space<hbm>>, %arg3: memref<4096x68xi32, #tpu.memory_space<hbm>>, %arg4: memref<4096x4xi32, #tpu.memory_space<hbm>>, %arg5: memref<49408x512xf32, #tpu.memory_space<hbm>>, %arg6: memref<52656x512xf32, #tpu.memory_space<hbm>>, %arg7: memref<4096x77x512xf32, #tpu.memory_space<hbm>>, %arg8: memref<128x5xi32, #tpu.memory_space<vmem>>, %arg9: memref<128x68xi32, #tpu.memory_space<vmem>>, %arg10: memref<128x4xi32, #tpu.memory_space<vmem>>, %arg11: memref<77x512xf32, #tpu.memory_space<vmem>>, %arg12: memref<77x512xf32, #tpu.memory_space<vmem>>, %arg13: memref<77x512xf32, #tpu.memory_space<vmem>>, %arg14: memref<!tpu.dma_semaphore, #tpu.memory_space<semaphore_mem>>, %arg15: memref<!tpu.dma_semaphore, #tpu.memory_space<semaphore_mem>>, %arg16: memref<!tpu.dma_semaphore, #tpu.memory_space<semaphore_mem>>, %arg17: memref<!tpu.dma_semaphore, #tpu.memory_space<semaphore_mem>>) attributes {dimension_semantics = [#tpu.dimension_semantics<core_parallel>, #tpu.dimension_semantics<subcore_parallel>], iteration_bounds = array<i64: 2, 16>, scalar_prefetch = 0 : i64, scratch_operands = 10 : i64, tpu.core_type = #tpu.core_type<sc_vector_subcore>, window_params = [{transform_indices = #map}, {transform_indices = #map}, {transform_indices = #map}, {transform_indices = #map}, {transform_indices = #map}, {transform_indices = #map1}]} {
    %mul3A = arith.constant 2 : i32
    %mul3A_0 = arith.muli %arg1, %mul3A : i32
    %add3A = arith.addi %mul3A_0, %arg0 : i32
    %mul3A_1 = arith.constant 128 : i32
    %mul3A_2 = arith.muli %add3A, %mul3A_1 : i32
    "tpu.region"() ({
      %run_scoped3A = tpu.sem_alloc : memref<!tpu.dma_semaphore, #tpu.memory_space<semaphore_mem>>
      %dma_start3A_186 = arith.constant 0 : i32
      %dma_start3A_187 = tpu.memref_slice %arg2[%mul3A_2, %dma_start3A_186] : memref<4096x5xi32, #tpu.memory_space<hbm>> -> memref<128x5xi32, #tpu.memory_space<hbm>>
      %dma_start3A_188 = arith.constant 0 : i32
      %dma_start3A_189 = tpu.memref_slice %arg2[%mul3A_2, %dma_start3A_188] : memref<4096x5xi32, #tpu.memory_space<hbm>> -> memref<128x5xi32, #tpu.memory_space<hbm>>
      tpu.enqueue_dma source(%dma_start3A_189 : memref<128x5xi32, #tpu.memory_space<hbm>>) target(%arg8 : memref<128x5xi32, #tpu.memory_space<vmem>>) target_semaphore(%run_scoped3A : memref<!tpu.dma_semaphore, #tpu.memory_space<semaphore_mem>>)
      %dma_wait3A_190 = arith.constant 0 : i32
      %dma_wait3A_191 = tpu.memref_slice %arg2[%mul3A_2, %dma_wait3A_190] : memref<4096x5xi32, #tpu.memory_space<hbm>> -> memref<128x5xi32, #tpu.memory_space<hbm>>
      %dma_wait3A_192 = arith.constant 0 : i32
      %dma_wait3A_193 = tpu.memref_slice %arg2[%mul3A_2, %dma_wait3A_192] : memref<4096x5xi32, #tpu.memory_space<hbm>> -> memref<128x5xi32, #tpu.memory_space<hbm>>
      tpu.wait_dma2 semaphore(%run_scoped3A : memref<!tpu.dma_semaphore, #tpu.memory_space<semaphore_mem>>) src(%dma_wait3A_193 : memref<128x5xi32, #tpu.memory_space<hbm>>) dst(%arg8 : memref<128x5xi32, #tpu.memory_space<vmem>>)
      tpu.yield
    }) : () -> ()
    "tpu.region"() ({
      %run_scoped3A = tpu.sem_alloc : memref<!tpu.dma_semaphore, #tpu.memory_space<semaphore_mem>>
      %dma_start3A_186 = arith.constant 0 : i32
      %dma_start3A_187 = tpu.memref_slice %arg3[%mul3A_2, %dma_start3A_186] : memref<4096x68xi32, #tpu.memory_space<hbm>> -> memref<128x68xi32, #tpu.memory_space<hbm>>
      %dma_start3A_188 = arith.constant 0 : i32
      %dma_start3A_189 = tpu.memref_slice %arg3[%mul3A_2, %dma_start3A_188] : memref<4096x68xi32, #tpu.memory_space<hbm>> -> memref<128x68xi32, #tpu.memory_space<hbm>>
      tpu.enqueue_dma source(%dma_start3A_189 : memref<128x68xi32, #tpu.memory_space<hbm>>) target(%arg9 : memref<128x68xi32, #tpu.memory_space<vmem>>) target_semaphore(%run_scoped3A : memref<!tpu.dma_semaphore, #tpu.memory_space<semaphore_mem>>)
      %dma_wait3A_190 = arith.constant 0 : i32
      %dma_wait3A_191 = tpu.memref_slice %arg3[%mul3A_2, %dma_wait3A_190] : memref<4096x68xi32, #tpu.memory_space<hbm>> -> memref<128x68xi32, #tpu.memory_space<hbm>>
      %dma_wait3A_192 = arith.constant 0 : i32
      %dma_wait3A_193 = tpu.memref_slice %arg3[%mul3A_2, %dma_wait3A_192] : memref<4096x68xi32, #tpu.memory_space<hbm>> -> memref<128x68xi32, #tpu.memory_space<hbm>>
      tpu.wait_dma2 semaphore(%run_scoped3A : memref<!tpu.dma_semaphore, #tpu.memory_space<semaphore_mem>>) src(%dma_wait3A_193 : memref<128x68xi32, #tpu.memory_space<hbm>>) dst(%arg9 : memref<128x68xi32, #tpu.memory_space<vmem>>)
      tpu.yield
    }) : () -> ()
    "tpu.region"() ({
      %run_scoped3A = tpu.sem_alloc : memref<!tpu.dma_semaphore, #tpu.memory_space<semaphore_mem>>
      %dma_start3A_186 = arith.constant 0 : i32
      %dma_start3A_187 = tpu.memref_slice %arg4[%mul3A_2, %dma_start3A_186] : memref<4096x4xi32, #tpu.memory_space<hbm>> -> memref<128x4xi32, #tpu.memory_space<hbm>>
      %dma_start3A_188 = arith.constant 0 : i32
      %dma_start3A_189 = tpu.memref_slice %arg4[%mul3A_2, %dma_start3A_188] : memref<4096x4xi32, #tpu.memory_space<hbm>> -> memref<128x4xi32, #tpu.memory_space<hbm>>
      tpu.enqueue_dma source(%dma_start3A_189 : memref<128x4xi32, #tpu.memory_space<hbm>>) target(%arg10 : memref<128x4xi32, #tpu.memory_space<vmem>>) target_semaphore(%run_scoped3A : memref<!tpu.dma_semaphore, #tpu.memory_space<semaphore_mem>>)
      %dma_wait3A_190 = arith.constant 0 : i32
      %dma_wait3A_191 = tpu.memref_slice %arg4[%mul3A_2, %dma_wait3A_190] : memref<4096x4xi32, #tpu.memory_space<hbm>> -> memref<128x4xi32, #tpu.memory_space<hbm>>
      %dma_wait3A_192 = arith.constant 0 : i32
      %dma_wait3A_193 = tpu.memref_slice %arg4[%mul3A_2, %dma_wait3A_192] : memref<4096x4xi32, #tpu.memory_space<hbm>> -> memref<128x4xi32, #tpu.memory_space<hbm>>
      tpu.wait_dma2 semaphore(%run_scoped3A : memref<!tpu.dma_semaphore, #tpu.memory_space<semaphore_mem>>) src(%dma_wait3A_193 : memref<128x4xi32, #tpu.memory_space<hbm>>) dst(%arg10 : memref<128x4xi32, #tpu.memory_space<vmem>>)
      tpu.yield
    }) : () -> ()
    %scan3A = arith.constant 0 : i32
    %scan3A_3 = arith.constant 0 : i32
    %scan3A_4 = arith.constant 42 : i32
    %scan3A_5 = arith.addi %scan3A_3, %scan3A_4 : i32
    %scan3A_6 = arith.constant 1 : i32
    scf.for %scan3A_186 = %scan3A_3 to %scan3A_5 step %scan3A_6  : i32 {
      %mul3A_187 = arith.constant 3 : i32
      %mul3A_188 = arith.muli %mul3A_187, %scan3A_186 : i32
      %add3A_189 = arith.addi %mul3A_2, %mul3A_188 : i32
      %gt3A = arith.constant 0 : i32
      %gt3A_190 = arith.cmpi sgt, %scan3A_186, %gt3A : i32
      %convert_element_type3A = arith.extui %gt3A_190 : i1 to i32
      %cond3A = arith.constant 0 : i32
      %cond3A_191 = arith.cmpi ne, %convert_element_type3A, %cond3A : i32
      scf.if %cond3A_191 {
        %dma_wait3A_398 = arith.constant 0 : i32
        %dma_wait3A_399 = arith.constant 0 : i32
        %dma_wait3A_400 = tpu.memref_slice %arg7[%add3A_189, %dma_wait3A_398, %dma_wait3A_399] : memref<4096x77x512xf32, #tpu.memory_space<hbm>> -> memref<1x77x512xf32, #tpu.memory_space<hbm>>
        %dma_wait3A_401 = tpu.memref_squeeze %dma_wait3A_400 : memref<1x77x512xf32, #tpu.memory_space<hbm>> -> memref<77x512xf32, #tpu.memory_space<hbm>>
        %dma_wait3A_402 = arith.constant 0 : i32
        %dma_wait3A_403 = arith.constant 0 : i32
        %dma_wait3A_404 = tpu.memref_slice %arg7[%add3A_189, %dma_wait3A_402, %dma_wait3A_403] : memref<4096x77x512xf32, #tpu.memory_space<hbm>> -> memref<1x77x512xf32, #tpu.memory_space<hbm>>
        %dma_wait3A_405 = tpu.memref_squeeze %dma_wait3A_404 : memref<1x77x512xf32, #tpu.memory_space<hbm>> -> memref<77x512xf32, #tpu.memory_space<hbm>>
        tpu.wait_dma2 semaphore(%arg15 : memref<!tpu.dma_semaphore, #tpu.memory_space<semaphore_mem>>) src(%arg11 : memref<77x512xf32, #tpu.memory_space<vmem>>) dst(%dma_wait3A_405 : memref<77x512xf32, #tpu.memory_space<hbm>>)
      } else {
      }
      %dma_start3A_192 = arith.constant 0 : i32
      %dma_start3A_193 = arith.constant 0 : i32
      %dma_start3A_194 = tpu.memref_slice %arg11[%dma_start3A_192, %dma_start3A_193] : memref<77x512xf32, #tpu.memory_space<vmem>> -> memref<5x512xf32, #tpu.memory_space<vmem>>
      %dma_start3A_195 = arith.constant 0 : i32
      %dma_start3A_196 = tpu.memref_slice %arg8[%mul3A_188, %dma_start3A_195] : memref<128x5xi32, #tpu.memory_space<vmem>> -> memref<1x5xi32, #tpu.memory_space<vmem>>
      %dma_start3A_197 = tpu.memref_squeeze %dma_start3A_196 : memref<1x5xi32, #tpu.memory_space<vmem>> -> memref<5xi32, #tpu.memory_space<vmem>>
      %dma_start3A_198 = arith.constant 0 : i32
      %dma_start3A_199 = arith.constant 0 : i32
      %dma_start3A_200 = tpu.memref_slice %arg5[%dma_start3A_198, %dma_start3A_199] : memref<49408x512xf32, #tpu.memory_space<hbm>> -> memref<49408x512xf32, #tpu.memory_space<hbm>>
      tpu.enqueue_indirect_dma source(%dma_start3A_200 : memref<49408x512xf32, #tpu.memory_space<hbm>>) target(%dma_start3A_194 : memref<5x512xf32, #tpu.memory_space<vmem>>) offsets(%dma_start3A_197 : memref<5xi32, #tpu.memory_space<vmem>>) semaphore(%arg14 : memref<!tpu.dma_semaphore, #tpu.memory_space<semaphore_mem>>)
      %dma_start3A_201 = arith.constant 5 : i32
      %dma_start3A_202 = arith.constant 0 : i32
      %dma_start3A_203 = tpu.memref_slice %arg11[%dma_start3A_201, %dma_start3A_202] : memref<77x512xf32, #tpu.memory_space<vmem>> -> memref<4x512xf32, #tpu.memory_space<vmem>>
      %dma_start3A_204 = arith.constant 0 : i32
      %dma_start3A_205 = tpu.memref_slice %arg10[%mul3A_188, %dma_start3A_204] : memref<128x4xi32, #tpu.memory_space<vmem>> -> memref<1x4xi32, #tpu.memory_space<vmem>>
      %dma_start3A_206 = tpu.memref_squeeze %dma_start3A_205 : memref<1x4xi32, #tpu.memory_space<vmem>> -> memref<4xi32, #tpu.memory_space<vmem>>
      %dma_start3A_207 = arith.constant 0 : i32
      %dma_start3A_208 = arith.constant 0 : i32
      %dma_start3A_209 = tpu.memref_slice %arg6[%dma_start3A_207, %dma_start3A_208] : memref<52656x512xf32, #tpu.memory_space<hbm>> -> memref<52656x512xf32, #tpu.memory_space<hbm>>
      tpu.enqueue_indirect_dma source(%dma_start3A_209 : memref<52656x512xf32, #tpu.memory_space<hbm>>) target(%dma_start3A_203 : memref<4x512xf32, #tpu.memory_space<vmem>>) offsets(%dma_start3A_206 : memref<4xi32, #tpu.memory_space<vmem>>) semaphore(%arg14 : memref<!tpu.dma_semaphore, #tpu.memory_space<semaphore_mem>>)
      %dma_start3A_210 = arith.constant 9 : i32
      %dma_start3A_211 = arith.constant 0 : i32
      %dma_start3A_212 = tpu.memref_slice %arg11[%dma_start3A_210, %dma_start3A_211] : memref<77x512xf32, #tpu.memory_space<vmem>> -> memref<68x512xf32, #tpu.memory_space<vmem>>
      %dma_start3A_213 = arith.constant 0 : i32
      %dma_start3A_214 = tpu.memref_slice %arg9[%mul3A_188, %dma_start3A_213] : memref<128x68xi32, #tpu.memory_space<vmem>> -> memref<1x68xi32, #tpu.memory_space<vmem>>
      %dma_start3A_215 = tpu.memref_squeeze %dma_start3A_214 : memref<1x68xi32, #tpu.memory_space<vmem>> -> memref<68xi32, #tpu.memory_space<vmem>>
      %dma_start3A_216 = arith.constant 0 : i32
      %dma_start3A_217 = arith.constant 0 : i32
      %dma_start3A_218 = tpu.memref_slice %arg5[%dma_start3A_216, %dma_start3A_217] : memref<49408x512xf32, #tpu.memory_space<hbm>> -> memref<49408x512xf32, #tpu.memory_space<hbm>>
      tpu.enqueue_indirect_dma source(%dma_start3A_218 : memref<49408x512xf32, #tpu.memory_space<hbm>>) target(%dma_start3A_212 : memref<68x512xf32, #tpu.memory_space<vmem>>) offsets(%dma_start3A_215 : memref<68xi32, #tpu.memory_space<vmem>>) semaphore(%arg14 : memref<!tpu.dma_semaphore, #tpu.memory_space<semaphore_mem>>)
      %dma_wait3A_219 = arith.constant 0 : i32
      %dma_wait3A_220 = arith.constant 0 : i32
      %dma_wait3A_221 = tpu.memref_slice %arg11[%dma_wait3A_219, %dma_wait3A_220] : memref<77x512xf32, #tpu.memory_space<vmem>> -> memref<5x512xf32, #tpu.memory_space<vmem>>
      %dma_wait3A_222 = arith.constant 0 : i32
      %dma_wait3A_223 = tpu.memref_slice %arg8[%mul3A_188, %dma_wait3A_222] : memref<128x5xi32, #tpu.memory_space<vmem>> -> memref<1x5xi32, #tpu.memory_space<vmem>>
      %dma_wait3A_224 = tpu.memref_squeeze %dma_wait3A_223 : memref<1x5xi32, #tpu.memory_space<vmem>> -> memref<5xi32, #tpu.memory_space<vmem>>
      %dma_wait3A_225 = arith.constant 0 : i32
      %dma_wait3A_226 = arith.constant 0 : i32
      %dma_wait3A_227 = tpu.memref_slice %arg5[%dma_wait3A_225, %dma_wait3A_226] : memref<49408x512xf32, #tpu.memory_space<hbm>> -> memref<49408x512xf32, #tpu.memory_space<hbm>>
      tpu.wait_indirect_dma semaphore(%arg14 : memref<!tpu.dma_semaphore, #tpu.memory_space<semaphore_mem>>) src(%dma_wait3A_227 : memref<49408x512xf32, #tpu.memory_space<hbm>>) dst(%dma_wait3A_221 : memref<5x512xf32, #tpu.memory_space<vmem>>)
      %dma_wait3A_228 = arith.constant 5 : i32
      %dma_wait3A_229 = arith.constant 0 : i32
      %dma_wait3A_230 = tpu.memref_slice %arg11[%dma_wait3A_228, %dma_wait3A_229] : memref<77x512xf32, #tpu.memory_space<vmem>> -> memref<4x512xf32, #tpu.memory_space<vmem>>
      %dma_wait3A_231 = arith.constant 0 : i32
      %dma_wait3A_232 = tpu.memref_slice %arg10[%mul3A_188, %dma_wait3A_231] : memref<128x4xi32, #tpu.memory_space<vmem>> -> memref<1x4xi32, #tpu.memory_space<vmem>>
      %dma_wait3A_233 = tpu.memref_squeeze %dma_wait3A_232 : memref<1x4xi32, #tpu.memory_space<vmem>> -> memref<4xi32, #tpu.memory_space<vmem>>
      %dma_wait3A_234 = arith.constant 0 : i32
      %dma_wait3A_235 = arith.constant 0 : i32
      %dma_wait3A_236 = tpu.memref_slice %arg6[%dma_wait3A_234, %dma_wait3A_235] : memref<52656x512xf32, #tpu.memory_space<hbm>> -> memref<52656x512xf32, #tpu.memory_space<hbm>>
      tpu.wait_indirect_dma semaphore(%arg14 : memref<!tpu.dma_semaphore, #tpu.memory_space<semaphore_mem>>) src(%dma_wait3A_236 : memref<52656x512xf32, #tpu.memory_space<hbm>>) dst(%dma_wait3A_230 : memref<4x512xf32, #tpu.memory_space<vmem>>)
      %dma_wait3A_237 = arith.constant 9 : i32
      %dma_wait3A_238 = arith.constant 0 : i32
      %dma_wait3A_239 = tpu.memref_slice %arg11[%dma_wait3A_237, %dma_wait3A_238] : memref<77x512xf32, #tpu.memory_space<vmem>> -> memref<68x512xf32, #tpu.memory_space<vmem>>
      %dma_wait3A_240 = arith.constant 0 : i32
      %dma_wait3A_241 = tpu.memref_slice %arg9[%mul3A_188, %dma_wait3A_240] : memref<128x68xi32, #tpu.memory_space<vmem>> -> memref<1x68xi32, #tpu.memory_space<vmem>>
      %dma_wait3A_242 = tpu.memref_squeeze %dma_wait3A_241 : memref<1x68xi32, #tpu.memory_space<vmem>> -> memref<68xi32, #tpu.memory_space<vmem>>
      %dma_wait3A_243 = arith.constant 0 : i32
      %dma_wait3A_244 = arith.constant 0 : i32
      %dma_wait3A_245 = tpu.memref_slice %arg5[%dma_wait3A_243, %dma_wait3A_244] : memref<49408x512xf32, #tpu.memory_space<hbm>> -> memref<49408x512xf32, #tpu.memory_space<hbm>>
      tpu.wait_indirect_dma semaphore(%arg14 : memref<!tpu.dma_semaphore, #tpu.memory_space<semaphore_mem>>) src(%dma_wait3A_245 : memref<49408x512xf32, #tpu.memory_space<hbm>>) dst(%dma_wait3A_239 : memref<68x512xf32, #tpu.memory_space<vmem>>)
      %dma_start3A_246 = arith.constant 0 : i32
      %dma_start3A_247 = arith.constant 0 : i32
      %dma_start3A_248 = tpu.memref_slice %arg7[%add3A_189, %dma_start3A_246, %dma_start3A_247] : memref<4096x77x512xf32, #tpu.memory_space<hbm>> -> memref<1x77x512xf32, #tpu.memory_space<hbm>>
      %dma_start3A_249 = tpu.memref_squeeze %dma_start3A_248 : memref<1x77x512xf32, #tpu.memory_space<hbm>> -> memref<77x512xf32, #tpu.memory_space<hbm>>
      %dma_start3A_250 = arith.constant 0 : i32
      %dma_start3A_251 = arith.constant 0 : i32
      %dma_start3A_252 = tpu.memref_slice %arg7[%add3A_189, %dma_start3A_250, %dma_start3A_251] : memref<4096x77x512xf32, #tpu.memory_space<hbm>> -> memref<1x77x512xf32, #tpu.memory_space<hbm>>
      %dma_start3A_253 = tpu.memref_squeeze %dma_start3A_252 : memref<1x77x512xf32, #tpu.memory_space<hbm>> -> memref<77x512xf32, #tpu.memory_space<hbm>>
      tpu.enqueue_dma source(%arg11 : memref<77x512xf32, #tpu.memory_space<vmem>>) target(%dma_start3A_253 : memref<77x512xf32, #tpu.memory_space<hbm>>) target_semaphore(%arg15 : memref<!tpu.dma_semaphore, #tpu.memory_space<semaphore_mem>>)
      %mul3A_254 = arith.constant 3 : i32
      %mul3A_255 = arith.muli %mul3A_254, %scan3A_186 : i32
      %add3A_256 = arith.constant 1 : i32
      %add3A_257 = arith.addi %mul3A_255, %add3A_256 : i32
      %add3A_258 = arith.addi %mul3A_2, %add3A_257 : i32
      %gt3A_259 = arith.constant 0 : i32
      %gt3A_260 = arith.cmpi sgt, %scan3A_186, %gt3A_259 : i32
      %convert_element_type3A_261 = arith.extui %gt3A_260 : i1 to i32
      %cond3A_262 = arith.constant 0 : i32
      %cond3A_263 = arith.cmpi ne, %convert_element_type3A_261, %cond3A_262 : i32
      scf.if %cond3A_263 {
        %dma_wait3A_398 = arith.constant 0 : i32
        %dma_wait3A_399 = arith.constant 0 : i32
        %dma_wait3A_400 = tpu.memref_slice %arg7[%add3A_258, %dma_wait3A_398, %dma_wait3A_399] : memref<4096x77x512xf32, #tpu.memory_space<hbm>> -> memref<1x77x512xf32, #tpu.memory_space<hbm>>
        %dma_wait3A_401 = tpu.memref_squeeze %dma_wait3A_400 : memref<1x77x512xf32, #tpu.memory_space<hbm>> -> memref<77x512xf32, #tpu.memory_space<hbm>>
        %dma_wait3A_402 = arith.constant 0 : i32
        %dma_wait3A_403 = arith.constant 0 : i32
        %dma_wait3A_404 = tpu.memref_slice %arg7[%add3A_258, %dma_wait3A_402, %dma_wait3A_403] : memref<4096x77x512xf32, #tpu.memory_space<hbm>> -> memref<1x77x512xf32, #tpu.memory_space<hbm>>
        %dma_wait3A_405 = tpu.memref_squeeze %dma_wait3A_404 : memref<1x77x512xf32, #tpu.memory_space<hbm>> -> memref<77x512xf32, #tpu.memory_space<hbm>>
        tpu.wait_dma2 semaphore(%arg16 : memref<!tpu.dma_semaphore, #tpu.memory_space<semaphore_mem>>) src(%arg12 : memref<77x512xf32, #tpu.memory_space<vmem>>) dst(%dma_wait3A_405 : memref<77x512xf32, #tpu.memory_space<hbm>>)
      } else {
      }
      %dma_start3A_264 = arith.constant 0 : i32
      %dma_start3A_265 = arith.constant 0 : i32
      %dma_start3A_266 = tpu.memref_slice %arg12[%dma_start3A_264, %dma_start3A_265] : memref<77x512xf32, #tpu.memory_space<vmem>> -> memref<5x512xf32, #tpu.memory_space<vmem>>
      %dma_start3A_267 = arith.constant 0 : i32
      %dma_start3A_268 = tpu.memref_slice %arg8[%add3A_257, %dma_start3A_267] : memref<128x5xi32, #tpu.memory_space<vmem>> -> memref<1x5xi32, #tpu.memory_space<vmem>>
      %dma_start3A_269 = tpu.memref_squeeze %dma_start3A_268 : memref<1x5xi32, #tpu.memory_space<vmem>> -> memref<5xi32, #tpu.memory_space<vmem>>
      %dma_start3A_270 = arith.constant 0 : i32
      %dma_start3A_271 = arith.constant 0 : i32
      %dma_start3A_272 = tpu.memref_slice %arg5[%dma_start3A_270, %dma_start3A_271] : memref<49408x512xf32, #tpu.memory_space<hbm>> -> memref<49408x512xf32, #tpu.memory_space<hbm>>
      tpu.enqueue_indirect_dma source(%dma_start3A_272 : memref<49408x512xf32, #tpu.memory_space<hbm>>) target(%dma_start3A_266 : memref<5x512xf32, #tpu.memory_space<vmem>>) offsets(%dma_start3A_269 : memref<5xi32, #tpu.memory_space<vmem>>) semaphore(%arg14 : memref<!tpu.dma_semaphore, #tpu.memory_space<semaphore_mem>>)
      %dma_start3A_273 = arith.constant 5 : i32
      %dma_start3A_274 = arith.constant 0 : i32
      %dma_start3A_275 = tpu.memref_slice %arg12[%dma_start3A_273, %dma_start3A_274] : memref<77x512xf32, #tpu.memory_space<vmem>> -> memref<4x512xf32, #tpu.memory_space<vmem>>
      %dma_start3A_276 = arith.constant 0 : i32
      %dma_start3A_277 = tpu.memref_slice %arg10[%add3A_257, %dma_start3A_276] : memref<128x4xi32, #tpu.memory_space<vmem>> -> memref<1x4xi32, #tpu.memory_space<vmem>>
      %dma_start3A_278 = tpu.memref_squeeze %dma_start3A_277 : memref<1x4xi32, #tpu.memory_space<vmem>> -> memref<4xi32, #tpu.memory_space<vmem>>
      %dma_start3A_279 = arith.constant 0 : i32
      %dma_start3A_280 = arith.constant 0 : i32
      %dma_start3A_281 = tpu.memref_slice %arg6[%dma_start3A_279, %dma_start3A_280] : memref<52656x512xf32, #tpu.memory_space<hbm>> -> memref<52656x512xf32, #tpu.memory_space<hbm>>
      tpu.enqueue_indirect_dma source(%dma_start3A_281 : memref<52656x512xf32, #tpu.memory_space<hbm>>) target(%dma_start3A_275 : memref<4x512xf32, #tpu.memory_space<vmem>>) offsets(%dma_start3A_278 : memref<4xi32, #tpu.memory_space<vmem>>) semaphore(%arg14 : memref<!tpu.dma_semaphore, #tpu.memory_space<semaphore_mem>>)
      %dma_start3A_282 = arith.constant 9 : i32
      %dma_start3A_283 = arith.constant 0 : i32
      %dma_start3A_284 = tpu.memref_slice %arg12[%dma_start3A_282, %dma_start3A_283] : memref<77x512xf32, #tpu.memory_space<vmem>> -> memref<68x512xf32, #tpu.memory_space<vmem>>
      %dma_start3A_285 = arith.constant 0 : i32
      %dma_start3A_286 = tpu.memref_slice %arg9[%add3A_257, %dma_start3A_285] : memref<128x68xi32, #tpu.memory_space<vmem>> -> memref<1x68xi32, #tpu.memory_space<vmem>>
      %dma_start3A_287 = tpu.memref_squeeze %dma_start3A_286 : memref<1x68xi32, #tpu.memory_space<vmem>> -> memref<68xi32, #tpu.memory_space<vmem>>
      %dma_start3A_288 = arith.constant 0 : i32
      %dma_start3A_289 = arith.constant 0 : i32
      %dma_start3A_290 = tpu.memref_slice %arg5[%dma_start3A_288, %dma_start3A_289] : memref<49408x512xf32, #tpu.memory_space<hbm>> -> memref<49408x512xf32, #tpu.memory_space<hbm>>
      tpu.enqueue_indirect_dma source(%dma_start3A_290 : memref<49408x512xf32, #tpu.memory_space<hbm>>) target(%dma_start3A_284 : memref<68x512xf32, #tpu.memory_space<vmem>>) offsets(%dma_start3A_287 : memref<68xi32, #tpu.memory_space<vmem>>) semaphore(%arg14 : memref<!tpu.dma_semaphore, #tpu.memory_space<semaphore_mem>>)
      %dma_wait3A_291 = arith.constant 0 : i32
      %dma_wait3A_292 = arith.constant 0 : i32
      %dma_wait3A_293 = tpu.memref_slice %arg12[%dma_wait3A_291, %dma_wait3A_292] : memref<77x512xf32, #tpu.memory_space<vmem>> -> memref<5x512xf32, #tpu.memory_space<vmem>>
      %dma_wait3A_294 = arith.constant 0 : i32
      %dma_wait3A_295 = tpu.memref_slice %arg8[%add3A_257, %dma_wait3A_294] : memref<128x5xi32, #tpu.memory_space<vmem>> -> memref<1x5xi32, #tpu.memory_space<vmem>>
      %dma_wait3A_296 = tpu.memref_squeeze %dma_wait3A_295 : memref<1x5xi32, #tpu.memory_space<vmem>> -> memref<5xi32, #tpu.memory_space<vmem>>
      %dma_wait3A_297 = arith.constant 0 : i32
      %dma_wait3A_298 = arith.constant 0 : i32
      %dma_wait3A_299 = tpu.memref_slice %arg5[%dma_wait3A_297, %dma_wait3A_298] : memref<49408x512xf32, #tpu.memory_space<hbm>> -> memref<49408x512xf32, #tpu.memory_space<hbm>>
      tpu.wait_indirect_dma semaphore(%arg14 : memref<!tpu.dma_semaphore, #tpu.memory_space<semaphore_mem>>) src(%dma_wait3A_299 : memref<49408x512xf32, #tpu.memory_space<hbm>>) dst(%dma_wait3A_293 : memref<5x512xf32, #tpu.memory_space<vmem>>)
      %dma_wait3A_300 = arith.constant 5 : i32
      %dma_wait3A_301 = arith.constant 0 : i32
      %dma_wait3A_302 = tpu.memref_slice %arg12[%dma_wait3A_300, %dma_wait3A_301] : memref<77x512xf32, #tpu.memory_space<vmem>> -> memref<4x512xf32, #tpu.memory_space<vmem>>
      %dma_wait3A_303 = arith.constant 0 : i32
      %dma_wait3A_304 = tpu.memref_slice %arg10[%add3A_257, %dma_wait3A_303] : memref<128x4xi32, #tpu.memory_space<vmem>> -> memref<1x4xi32, #tpu.memory_space<vmem>>
      %dma_wait3A_305 = tpu.memref_squeeze %dma_wait3A_304 : memref<1x4xi32, #tpu.memory_space<vmem>> -> memref<4xi32, #tpu.memory_space<vmem>>
      %dma_wait3A_306 = arith.constant 0 : i32
      %dma_wait3A_307 = arith.constant 0 : i32
      %dma_wait3A_308 = tpu.memref_slice %arg6[%dma_wait3A_306, %dma_wait3A_307] : memref<52656x512xf32, #tpu.memory_space<hbm>> -> memref<52656x512xf32, #tpu.memory_space<hbm>>
      tpu.wait_indirect_dma semaphore(%arg14 : memref<!tpu.dma_semaphore, #tpu.memory_space<semaphore_mem>>) src(%dma_wait3A_308 : memref<52656x512xf32, #tpu.memory_space<hbm>>) dst(%dma_wait3A_302 : memref<4x512xf32, #tpu.memory_space<vmem>>)
      %dma_wait3A_309 = arith.constant 9 : i32
      %dma_wait3A_310 = arith.constant 0 : i32
      %dma_wait3A_311 = tpu.memref_slice %arg12[%dma_wait3A_309, %dma_wait3A_310] : memref<77x512xf32, #tpu.memory_space<vmem>> -> memref<68x512xf32, #tpu.memory_space<vmem>>
      %dma_wait3A_312 = arith.constant 0 : i32
      %dma_wait3A_313 = tpu.memref_slice %arg9[%add3A_257, %dma_wait3A_312] : memref<128x68xi32, #tpu.memory_space<vmem>> -> memref<1x68xi32, #tpu.memory_space<vmem>>
      %dma_wait3A_314 = tpu.memref_squeeze %dma_wait3A_313 : memref<1x68xi32, #tpu.memory_space<vmem>> -> memref<68xi32, #tpu.memory_space<vmem>>
      %dma_wait3A_315 = arith.constant 0 : i32
      %dma_wait3A_316 = arith.constant 0 : i32
      %dma_wait3A_317 = tpu.memref_slice %arg5[%dma_wait3A_315, %dma_wait3A_316] : memref<49408x512xf32, #tpu.memory_space<hbm>> -> memref<49408x512xf32, #tpu.memory_space<hbm>>
      tpu.wait_indirect_dma semaphore(%arg14 : memref<!tpu.dma_semaphore, #tpu.memory_space<semaphore_mem>>) src(%dma_wait3A_317 : memref<49408x512xf32, #tpu.memory_space<hbm>>) dst(%dma_wait3A_311 : memref<68x512xf32, #tpu.memory_space<vmem>>)
      %dma_start3A_318 = arith.constant 0 : i32
      %dma_start3A_319 = arith.constant 0 : i32
      %dma_start3A_320 = tpu.memref_slice %arg7[%add3A_258, %dma_start3A_318, %dma_start3A_319] : memref<4096x77x512xf32, #tpu.memory_space<hbm>> -> memref<1x77x512xf32, #tpu.memory_space<hbm>>
      %dma_start3A_321 = tpu.memref_squeeze %dma_start3A_320 : memref<1x77x512xf32, #tpu.memory_space<hbm>> -> memref<77x512xf32, #tpu.memory_space<hbm>>
      %dma_start3A_322 = arith.constant 0 : i32
      %dma_start3A_323 = arith.constant 0 : i32
      %dma_start3A_324 = tpu.memref_slice %arg7[%add3A_258, %dma_start3A_322, %dma_start3A_323] : memref<4096x77x512xf32, #tpu.memory_space<hbm>> -> memref<1x77x512xf32, #tpu.memory_space<hbm>>
      %dma_start3A_325 = tpu.memref_squeeze %dma_start3A_324 : memref<1x77x512xf32, #tpu.memory_space<hbm>> -> memref<77x512xf32, #tpu.memory_space<hbm>>
      tpu.enqueue_dma source(%arg12 : memref<77x512xf32, #tpu.memory_space<vmem>>) target(%dma_start3A_325 : memref<77x512xf32, #tpu.memory_space<hbm>>) target_semaphore(%arg16 : memref<!tpu.dma_semaphore, #tpu.memory_space<semaphore_mem>>)
      %mul3A_326 = arith.constant 3 : i32
      %mul3A_327 = arith.muli %mul3A_326, %scan3A_186 : i32
      %add3A_328 = arith.constant 2 : i32
      %add3A_329 = arith.addi %mul3A_327, %add3A_328 : i32
      %add3A_330 = arith.addi %mul3A_2, %add3A_329 : i32
      %gt3A_331 = arith.constant 0 : i32
      %gt3A_332 = arith.cmpi sgt, %scan3A_186, %gt3A_331 : i32
      %convert_element_type3A_333 = arith.extui %gt3A_332 : i1 to i32
      %cond3A_334 = arith.constant 0 : i32
      %cond3A_335 = arith.cmpi ne, %convert_element_type3A_333, %cond3A_334 : i32
      scf.if %cond3A_335 {
        %dma_wait3A_398 = arith.constant 0 : i32
        %dma_wait3A_399 = arith.constant 0 : i32
        %dma_wait3A_400 = tpu.memref_slice %arg7[%add3A_330, %dma_wait3A_398, %dma_wait3A_399] : memref<4096x77x512xf32, #tpu.memory_space<hbm>> -> memref<1x77x512xf32, #tpu.memory_space<hbm>>
        %dma_wait3A_401 = tpu.memref_squeeze %dma_wait3A_400 : memref<1x77x512xf32, #tpu.memory_space<hbm>> -> memref<77x512xf32, #tpu.memory_space<hbm>>
        %dma_wait3A_402 = arith.constant 0 : i32
        %dma_wait3A_403 = arith.constant 0 : i32
        %dma_wait3A_404 = tpu.memref_slice %arg7[%add3A_330, %dma_wait3A_402, %dma_wait3A_403] : memref<4096x77x512xf32, #tpu.memory_space<hbm>> -> memref<1x77x512xf32, #tpu.memory_space<hbm>>
        %dma_wait3A_405 = tpu.memref_squeeze %dma_wait3A_404 : memref<1x77x512xf32, #tpu.memory_space<hbm>> -> memref<77x512xf32, #tpu.memory_space<hbm>>
        tpu.wait_dma2 semaphore(%arg17 : memref<!tpu.dma_semaphore, #tpu.memory_space<semaphore_mem>>) src(%arg13 : memref<77x512xf32, #tpu.memory_space<vmem>>) dst(%dma_wait3A_405 : memref<77x512xf32, #tpu.memory_space<hbm>>)
      } else {
      }
      %dma_start3A_336 = arith.constant 0 : i32
      %dma_start3A_337 = arith.constant 0 : i32
      %dma_start3A_338 = tpu.memref_slice %arg13[%dma_start3A_336, %dma_start3A_337] : memref<77x512xf32, #tpu.memory_space<vmem>> -> memref<5x512xf32, #tpu.memory_space<vmem>>
      %dma_start3A_339 = arith.constant 0 : i32
      %dma_start3A_340 = tpu.memref_slice %arg8[%add3A_329, %dma_start3A_339] : memref<128x5xi32, #tpu.memory_space<vmem>> -> memref<1x5xi32, #tpu.memory_space<vmem>>
      %dma_start3A_341 = tpu.memref_squeeze %dma_start3A_340 : memref<1x5xi32, #tpu.memory_space<vmem>> -> memref<5xi32, #tpu.memory_space<vmem>>
      %dma_start3A_342 = arith.constant 0 : i32
      %dma_start3A_343 = arith.constant 0 : i32
      %dma_start3A_344 = tpu.memref_slice %arg5[%dma_start3A_342, %dma_start3A_343] : memref<49408x512xf32, #tpu.memory_space<hbm>> -> memref<49408x512xf32, #tpu.memory_space<hbm>>
      tpu.enqueue_indirect_dma source(%dma_start3A_344 : memref<49408x512xf32, #tpu.memory_space<hbm>>) target(%dma_start3A_338 : memref<5x512xf32, #tpu.memory_space<vmem>>) offsets(%dma_start3A_341 : memref<5xi32, #tpu.memory_space<vmem>>) semaphore(%arg14 : memref<!tpu.dma_semaphore, #tpu.memory_space<semaphore_mem>>)
      %dma_start3A_345 = arith.constant 5 : i32
      %dma_start3A_346 = arith.constant 0 : i32
      %dma_start3A_347 = tpu.memref_slice %arg13[%dma_start3A_345, %dma_start3A_346] : memref<77x512xf32, #tpu.memory_space<vmem>> -> memref<4x512xf32, #tpu.memory_space<vmem>>
      %dma_start3A_348 = arith.constant 0 : i32
      %dma_start3A_349 = tpu.memref_slice %arg10[%add3A_329, %dma_start3A_348] : memref<128x4xi32, #tpu.memory_space<vmem>> -> memref<1x4xi32, #tpu.memory_space<vmem>>
      %dma_start3A_350 = tpu.memref_squeeze %dma_start3A_349 : memref<1x4xi32, #tpu.memory_space<vmem>> -> memref<4xi32, #tpu.memory_space<vmem>>
      %dma_start3A_351 = arith.constant 0 : i32
      %dma_start3A_352 = arith.constant 0 : i32
      %dma_start3A_353 = tpu.memref_slice %arg6[%dma_start3A_351, %dma_start3A_352] : memref<52656x512xf32, #tpu.memory_space<hbm>> -> memref<52656x512xf32, #tpu.memory_space<hbm>>
      tpu.enqueue_indirect_dma source(%dma_start3A_353 : memref<52656x512xf32, #tpu.memory_space<hbm>>) target(%dma_start3A_347 : memref<4x512xf32, #tpu.memory_space<vmem>>) offsets(%dma_start3A_350 : memref<4xi32, #tpu.memory_space<vmem>>) semaphore(%arg14 : memref<!tpu.dma_semaphore, #tpu.memory_space<semaphore_mem>>)
      %dma_start3A_354 = arith.constant 9 : i32
      %dma_start3A_355 = arith.constant 0 : i32
      %dma_start3A_356 = tpu.memref_slice %arg13[%dma_start3A_354, %dma_start3A_355] : memref<77x512xf32, #tpu.memory_space<vmem>> -> memref<68x512xf32, #tpu.memory_space<vmem>>
      %dma_start3A_357 = arith.constant 0 : i32
      %dma_start3A_358 = tpu.memref_slice %arg9[%add3A_329, %dma_start3A_357] : memref<128x68xi32, #tpu.memory_space<vmem>> -> memref<1x68xi32, #tpu.memory_space<vmem>>
      %dma_start3A_359 = tpu.memref_squeeze %dma_start3A_358 : memref<1x68xi32, #tpu.memory_space<vmem>> -> memref<68xi32, #tpu.memory_space<vmem>>
      %dma_start3A_360 = arith.constant 0 : i32
      %dma_start3A_361 = arith.constant 0 : i32
      %dma_start3A_362 = tpu.memref_slice %arg5[%dma_start3A_360, %dma_start3A_361] : memref<49408x512xf32, #tpu.memory_space<hbm>> -> memref<49408x512xf32, #tpu.memory_space<hbm>>
      tpu.enqueue_indirect_dma source(%dma_start3A_362 : memref<49408x512xf32, #tpu.memory_space<hbm>>) target(%dma_start3A_356 : memref<68x512xf32, #tpu.memory_space<vmem>>) offsets(%dma_start3A_359 : memref<68xi32, #tpu.memory_space<vmem>>) semaphore(%arg14 : memref<!tpu.dma_semaphore, #tpu.memory_space<semaphore_mem>>)
      %dma_wait3A_363 = arith.constant 0 : i32
      %dma_wait3A_364 = arith.constant 0 : i32
      %dma_wait3A_365 = tpu.memref_slice %arg13[%dma_wait3A_363, %dma_wait3A_364] : memref<77x512xf32, #tpu.memory_space<vmem>> -> memref<5x512xf32, #tpu.memory_space<vmem>>
      %dma_wait3A_366 = arith.constant 0 : i32
      %dma_wait3A_367 = tpu.memref_slice %arg8[%add3A_329, %dma_wait3A_366] : memref<128x5xi32, #tpu.memory_space<vmem>> -> memref<1x5xi32, #tpu.memory_space<vmem>>
      %dma_wait3A_368 = tpu.memref_squeeze %dma_wait3A_367 : memref<1x5xi32, #tpu.memory_space<vmem>> -> memref<5xi32, #tpu.memory_space<vmem>>
      %dma_wait3A_369 = arith.constant 0 : i32
      %dma_wait3A_370 = arith.constant 0 : i32
      %dma_wait3A_371 = tpu.memref_slice %arg5[%dma_wait3A_369, %dma_wait3A_370] : memref<49408x512xf32, #tpu.memory_space<hbm>> -> memref<49408x512xf32, #tpu.memory_space<hbm>>
      tpu.wait_indirect_dma semaphore(%arg14 : memref<!tpu.dma_semaphore, #tpu.memory_space<semaphore_mem>>) src(%dma_wait3A_371 : memref<49408x512xf32, #tpu.memory_space<hbm>>) dst(%dma_wait3A_365 : memref<5x512xf32, #tpu.memory_space<vmem>>)
      %dma_wait3A_372 = arith.constant 5 : i32
      %dma_wait3A_373 = arith.constant 0 : i32
      %dma_wait3A_374 = tpu.memref_slice %arg13[%dma_wait3A_372, %dma_wait3A_373] : memref<77x512xf32, #tpu.memory_space<vmem>> -> memref<4x512xf32, #tpu.memory_space<vmem>>
      %dma_wait3A_375 = arith.constant 0 : i32
      %dma_wait3A_376 = tpu.memref_slice %arg10[%add3A_329, %dma_wait3A_375] : memref<128x4xi32, #tpu.memory_space<vmem>> -> memref<1x4xi32, #tpu.memory_space<vmem>>
      %dma_wait3A_377 = tpu.memref_squeeze %dma_wait3A_376 : memref<1x4xi32, #tpu.memory_space<vmem>> -> memref<4xi32, #tpu.memory_space<vmem>>
      %dma_wait3A_378 = arith.constant 0 : i32
      %dma_wait3A_379 = arith.constant 0 : i32
      %dma_wait3A_380 = tpu.memref_slice %arg6[%dma_wait3A_378, %dma_wait3A_379] : memref<52656x512xf32, #tpu.memory_space<hbm>> -> memref<52656x512xf32, #tpu.memory_space<hbm>>
      tpu.wait_indirect_dma semaphore(%arg14 : memref<!tpu.dma_semaphore, #tpu.memory_space<semaphore_mem>>) src(%dma_wait3A_380 : memref<52656x512xf32, #tpu.memory_space<hbm>>) dst(%dma_wait3A_374 : memref<4x512xf32, #tpu.memory_space<vmem>>)
      %dma_wait3A_381 = arith.constant 9 : i32
      %dma_wait3A_382 = arith.constant 0 : i32
      %dma_wait3A_383 = tpu.memref_slice %arg13[%dma_wait3A_381, %dma_wait3A_382] : memref<77x512xf32, #tpu.memory_space<vmem>> -> memref<68x512xf32, #tpu.memory_space<vmem>>
      %dma_wait3A_384 = arith.constant 0 : i32
      %dma_wait3A_385 = tpu.memref_slice %arg9[%add3A_329, %dma_wait3A_384] : memref<128x68xi32, #tpu.memory_space<vmem>> -> memref<1x68xi32, #tpu.memory_space<vmem>>
      %dma_wait3A_386 = tpu.memref_squeeze %dma_wait3A_385 : memref<1x68xi32, #tpu.memory_space<vmem>> -> memref<68xi32, #tpu.memory_space<vmem>>
      %dma_wait3A_387 = arith.constant 0 : i32
      %dma_wait3A_388 = arith.constant 0 : i32
      %dma_wait3A_389 = tpu.memref_slice %arg5[%dma_wait3A_387, %dma_wait3A_388] : memref<49408x512xf32, #tpu.memory_space<hbm>> -> memref<49408x512xf32, #tpu.memory_space<hbm>>
      tpu.wait_indirect_dma semaphore(%arg14 : memref<!tpu.dma_semaphore, #tpu.memory_space<semaphore_mem>>) src(%dma_wait3A_389 : memref<49408x512xf32, #tpu.memory_space<hbm>>) dst(%dma_wait3A_383 : memref<68x512xf32, #tpu.memory_space<vmem>>)
      %dma_start3A_390 = arith.constant 0 : i32
      %dma_start3A_391 = arith.constant 0 : i32
      %dma_start3A_392 = tpu.memref_slice %arg7[%add3A_330, %dma_start3A_390, %dma_start3A_391] : memref<4096x77x512xf32, #tpu.memory_space<hbm>> -> memref<1x77x512xf32, #tpu.memory_space<hbm>>
      %dma_start3A_393 = tpu.memref_squeeze %dma_start3A_392 : memref<1x77x512xf32, #tpu.memory_space<hbm>> -> memref<77x512xf32, #tpu.memory_space<hbm>>
      %dma_start3A_394 = arith.constant 0 : i32
      %dma_start3A_395 = arith.constant 0 : i32
      %dma_start3A_396 = tpu.memref_slice %arg7[%add3A_330, %dma_start3A_394, %dma_start3A_395] : memref<4096x77x512xf32, #tpu.memory_space<hbm>> -> memref<1x77x512xf32, #tpu.memory_space<hbm>>
      %dma_start3A_397 = tpu.memref_squeeze %dma_start3A_396 : memref<1x77x512xf32, #tpu.memory_space<hbm>> -> memref<77x512xf32, #tpu.memory_space<hbm>>
      tpu.enqueue_dma source(%arg13 : memref<77x512xf32, #tpu.memory_space<vmem>>) target(%dma_start3A_397 : memref<77x512xf32, #tpu.memory_space<hbm>>) target_semaphore(%arg17 : memref<!tpu.dma_semaphore, #tpu.memory_space<semaphore_mem>>)
    }
    %scan3A_7 = arith.constant 42 : i32
    %add3A_8 = arith.constant 126 : i32
    %add3A_9 = arith.addi %mul3A_2, %add3A_8 : i32
    %dma_wait3A = arith.constant 0 : i32
    %dma_wait3A_10 = arith.constant 0 : i32
    %dma_wait3A_11 = tpu.memref_slice %arg7[%add3A_9, %dma_wait3A, %dma_wait3A_10] : memref<4096x77x512xf32, #tpu.memory_space<hbm>> -> memref<1x77x512xf32, #tpu.memory_space<hbm>>
    %dma_wait3A_12 = tpu.memref_squeeze %dma_wait3A_11 : memref<1x77x512xf32, #tpu.memory_space<hbm>> -> memref<77x512xf32, #tpu.memory_space<hbm>>
    %dma_wait3A_13 = arith.constant 0 : i32
    %dma_wait3A_14 = arith.constant 0 : i32
    %dma_wait3A_15 = tpu.memref_slice %arg7[%add3A_9, %dma_wait3A_13, %dma_wait3A_14] : memref<4096x77x512xf32, #tpu.memory_space<hbm>> -> memref<1x77x512xf32, #tpu.memory_space<hbm>>
    %dma_wait3A_16 = tpu.memref_squeeze %dma_wait3A_15 : memref<1x77x512xf32, #tpu.memory_space<hbm>> -> memref<77x512xf32, #tpu.memory_space<hbm>>
    tpu.wait_dma2 semaphore(%arg15 : memref<!tpu.dma_semaphore, #tpu.memory_space<semaphore_mem>>) src(%arg11 : memref<77x512xf32, #tpu.memory_space<vmem>>) dst(%dma_wait3A_16 : memref<77x512xf32, #tpu.memory_space<hbm>>)
    %dma_start3A = arith.constant 126 : i32
    %dma_start3A_17 = arith.constant 0 : i32
    %dma_start3A_18 = arith.constant 0 : i32
    %dma_start3A_19 = tpu.memref_slice %arg11[%dma_start3A_17, %dma_start3A_18] : memref<77x512xf32, #tpu.memory_space<vmem>> -> memref<5x512xf32, #tpu.memory_space<vmem>>
    %dma_start3A_20 = arith.constant 0 : i32
    %dma_start3A_21 = tpu.memref_slice %arg8[%dma_start3A, %dma_start3A_20] : memref<128x5xi32, #tpu.memory_space<vmem>> -> memref<1x5xi32, #tpu.memory_space<vmem>>
    %dma_start3A_22 = tpu.memref_squeeze %dma_start3A_21 : memref<1x5xi32, #tpu.memory_space<vmem>> -> memref<5xi32, #tpu.memory_space<vmem>>
    %dma_start3A_23 = arith.constant 0 : i32
    %dma_start3A_24 = arith.constant 0 : i32
    %dma_start3A_25 = tpu.memref_slice %arg5[%dma_start3A_23, %dma_start3A_24] : memref<49408x512xf32, #tpu.memory_space<hbm>> -> memref<49408x512xf32, #tpu.memory_space<hbm>>
    tpu.enqueue_indirect_dma source(%dma_start3A_25 : memref<49408x512xf32, #tpu.memory_space<hbm>>) target(%dma_start3A_19 : memref<5x512xf32, #tpu.memory_space<vmem>>) offsets(%dma_start3A_22 : memref<5xi32, #tpu.memory_space<vmem>>) semaphore(%arg14 : memref<!tpu.dma_semaphore, #tpu.memory_space<semaphore_mem>>)
    %dma_start3A_26 = arith.constant 126 : i32
    %dma_start3A_27 = arith.constant 5 : i32
    %dma_start3A_28 = arith.constant 0 : i32
    %dma_start3A_29 = tpu.memref_slice %arg11[%dma_start3A_27, %dma_start3A_28] : memref<77x512xf32, #tpu.memory_space<vmem>> -> memref<4x512xf32, #tpu.memory_space<vmem>>
    %dma_start3A_30 = arith.constant 0 : i32
    %dma_start3A_31 = tpu.memref_slice %arg10[%dma_start3A_26, %dma_start3A_30] : memref<128x4xi32, #tpu.memory_space<vmem>> -> memref<1x4xi32, #tpu.memory_space<vmem>>
    %dma_start3A_32 = tpu.memref_squeeze %dma_start3A_31 : memref<1x4xi32, #tpu.memory_space<vmem>> -> memref<4xi32, #tpu.memory_space<vmem>>
    %dma_start3A_33 = arith.constant 0 : i32
    %dma_start3A_34 = arith.constant 0 : i32
    %dma_start3A_35 = tpu.memref_slice %arg6[%dma_start3A_33, %dma_start3A_34] : memref<52656x512xf32, #tpu.memory_space<hbm>> -> memref<52656x512xf32, #tpu.memory_space<hbm>>
    tpu.enqueue_indirect_dma source(%dma_start3A_35 : memref<52656x512xf32, #tpu.memory_space<hbm>>) target(%dma_start3A_29 : memref<4x512xf32, #tpu.memory_space<vmem>>) offsets(%dma_start3A_32 : memref<4xi32, #tpu.memory_space<vmem>>) semaphore(%arg14 : memref<!tpu.dma_semaphore, #tpu.memory_space<semaphore_mem>>)
    %dma_start3A_36 = arith.constant 126 : i32
    %dma_start3A_37 = arith.constant 9 : i32
    %dma_start3A_38 = arith.constant 0 : i32
    %dma_start3A_39 = tpu.memref_slice %arg11[%dma_start3A_37, %dma_start3A_38] : memref<77x512xf32, #tpu.memory_space<vmem>> -> memref<68x512xf32, #tpu.memory_space<vmem>>
    %dma_start3A_40 = arith.constant 0 : i32
    %dma_start3A_41 = tpu.memref_slice %arg9[%dma_start3A_36, %dma_start3A_40] : memref<128x68xi32, #tpu.memory_space<vmem>> -> memref<1x68xi32, #tpu.memory_space<vmem>>
    %dma_start3A_42 = tpu.memref_squeeze %dma_start3A_41 : memref<1x68xi32, #tpu.memory_space<vmem>> -> memref<68xi32, #tpu.memory_space<vmem>>
    %dma_start3A_43 = arith.constant 0 : i32
    %dma_start3A_44 = arith.constant 0 : i32
    %dma_start3A_45 = tpu.memref_slice %arg5[%dma_start3A_43, %dma_start3A_44] : memref<49408x512xf32, #tpu.memory_space<hbm>> -> memref<49408x512xf32, #tpu.memory_space<hbm>>
    tpu.enqueue_indirect_dma source(%dma_start3A_45 : memref<49408x512xf32, #tpu.memory_space<hbm>>) target(%dma_start3A_39 : memref<68x512xf32, #tpu.memory_space<vmem>>) offsets(%dma_start3A_42 : memref<68xi32, #tpu.memory_space<vmem>>) semaphore(%arg14 : memref<!tpu.dma_semaphore, #tpu.memory_space<semaphore_mem>>)
    %dma_wait3A_46 = arith.constant 126 : i32
    %dma_wait3A_47 = arith.constant 0 : i32
    %dma_wait3A_48 = arith.constant 0 : i32
    %dma_wait3A_49 = tpu.memref_slice %arg11[%dma_wait3A_47, %dma_wait3A_48] : memref<77x512xf32, #tpu.memory_space<vmem>> -> memref<5x512xf32, #tpu.memory_space<vmem>>
    %dma_wait3A_50 = arith.constant 0 : i32
    %dma_wait3A_51 = tpu.memref_slice %arg8[%dma_wait3A_46, %dma_wait3A_50] : memref<128x5xi32, #tpu.memory_space<vmem>> -> memref<1x5xi32, #tpu.memory_space<vmem>>
    %dma_wait3A_52 = tpu.memref_squeeze %dma_wait3A_51 : memref<1x5xi32, #tpu.memory_space<vmem>> -> memref<5xi32, #tpu.memory_space<vmem>>
    %dma_wait3A_53 = arith.constant 0 : i32
    %dma_wait3A_54 = arith.constant 0 : i32
    %dma_wait3A_55 = tpu.memref_slice %arg5[%dma_wait3A_53, %dma_wait3A_54] : memref<49408x512xf32, #tpu.memory_space<hbm>> -> memref<49408x512xf32, #tpu.memory_space<hbm>>
    tpu.wait_indirect_dma semaphore(%arg14 : memref<!tpu.dma_semaphore, #tpu.memory_space<semaphore_mem>>) src(%dma_wait3A_55 : memref<49408x512xf32, #tpu.memory_space<hbm>>) dst(%dma_wait3A_49 : memref<5x512xf32, #tpu.memory_space<vmem>>)
    %dma_wait3A_56 = arith.constant 126 : i32
    %dma_wait3A_57 = arith.constant 5 : i32
    %dma_wait3A_58 = arith.constant 0 : i32
    %dma_wait3A_59 = tpu.memref_slice %arg11[%dma_wait3A_57, %dma_wait3A_58] : memref<77x512xf32, #tpu.memory_space<vmem>> -> memref<4x512xf32, #tpu.memory_space<vmem>>
    %dma_wait3A_60 = arith.constant 0 : i32
    %dma_wait3A_61 = tpu.memref_slice %arg10[%dma_wait3A_56, %dma_wait3A_60] : memref<128x4xi32, #tpu.memory_space<vmem>> -> memref<1x4xi32, #tpu.memory_space<vmem>>
    %dma_wait3A_62 = tpu.memref_squeeze %dma_wait3A_61 : memref<1x4xi32, #tpu.memory_space<vmem>> -> memref<4xi32, #tpu.memory_space<vmem>>
    %dma_wait3A_63 = arith.constant 0 : i32
    %dma_wait3A_64 = arith.constant 0 : i32
    %dma_wait3A_65 = tpu.memref_slice %arg6[%dma_wait3A_63, %dma_wait3A_64] : memref<52656x512xf32, #tpu.memory_space<hbm>> -> memref<52656x512xf32, #tpu.memory_space<hbm>>
    tpu.wait_indirect_dma semaphore(%arg14 : memref<!tpu.dma_semaphore, #tpu.memory_space<semaphore_mem>>) src(%dma_wait3A_65 : memref<52656x512xf32, #tpu.memory_space<hbm>>) dst(%dma_wait3A_59 : memref<4x512xf32, #tpu.memory_space<vmem>>)
    %dma_wait3A_66 = arith.constant 126 : i32
    %dma_wait3A_67 = arith.constant 9 : i32
    %dma_wait3A_68 = arith.constant 0 : i32
    %dma_wait3A_69 = tpu.memref_slice %arg11[%dma_wait3A_67, %dma_wait3A_68] : memref<77x512xf32, #tpu.memory_space<vmem>> -> memref<68x512xf32, #tpu.memory_space<vmem>>
    %dma_wait3A_70 = arith.constant 0 : i32
    %dma_wait3A_71 = tpu.memref_slice %arg9[%dma_wait3A_66, %dma_wait3A_70] : memref<128x68xi32, #tpu.memory_space<vmem>> -> memref<1x68xi32, #tpu.memory_space<vmem>>
    %dma_wait3A_72 = tpu.memref_squeeze %dma_wait3A_71 : memref<1x68xi32, #tpu.memory_space<vmem>> -> memref<68xi32, #tpu.memory_space<vmem>>
    %dma_wait3A_73 = arith.constant 0 : i32
    %dma_wait3A_74 = arith.constant 0 : i32
    %dma_wait3A_75 = tpu.memref_slice %arg5[%dma_wait3A_73, %dma_wait3A_74] : memref<49408x512xf32, #tpu.memory_space<hbm>> -> memref<49408x512xf32, #tpu.memory_space<hbm>>
    tpu.wait_indirect_dma semaphore(%arg14 : memref<!tpu.dma_semaphore, #tpu.memory_space<semaphore_mem>>) src(%dma_wait3A_75 : memref<49408x512xf32, #tpu.memory_space<hbm>>) dst(%dma_wait3A_69 : memref<68x512xf32, #tpu.memory_space<vmem>>)
    %dma_start3A_76 = arith.constant 0 : i32
    %dma_start3A_77 = arith.constant 0 : i32
    %dma_start3A_78 = tpu.memref_slice %arg7[%add3A_9, %dma_start3A_76, %dma_start3A_77] : memref<4096x77x512xf32, #tpu.memory_space<hbm>> -> memref<1x77x512xf32, #tpu.memory_space<hbm>>
    %dma_start3A_79 = tpu.memref_squeeze %dma_start3A_78 : memref<1x77x512xf32, #tpu.memory_space<hbm>> -> memref<77x512xf32, #tpu.memory_space<hbm>>
    %dma_start3A_80 = arith.constant 0 : i32
    %dma_start3A_81 = arith.constant 0 : i32
    %dma_start3A_82 = tpu.memref_slice %arg7[%add3A_9, %dma_start3A_80, %dma_start3A_81] : memref<4096x77x512xf32, #tpu.memory_space<hbm>> -> memref<1x77x512xf32, #tpu.memory_space<hbm>>
    %dma_start3A_83 = tpu.memref_squeeze %dma_start3A_82 : memref<1x77x512xf32, #tpu.memory_space<hbm>> -> memref<77x512xf32, #tpu.memory_space<hbm>>
    tpu.enqueue_dma source(%arg11 : memref<77x512xf32, #tpu.memory_space<vmem>>) target(%dma_start3A_83 : memref<77x512xf32, #tpu.memory_space<hbm>>) target_semaphore(%arg15 : memref<!tpu.dma_semaphore, #tpu.memory_space<semaphore_mem>>)
    %add3A_84 = arith.constant 127 : i32
    %add3A_85 = arith.addi %mul3A_2, %add3A_84 : i32
    %dma_wait3A_86 = arith.constant 0 : i32
    %dma_wait3A_87 = arith.constant 0 : i32
    %dma_wait3A_88 = tpu.memref_slice %arg7[%add3A_85, %dma_wait3A_86, %dma_wait3A_87] : memref<4096x77x512xf32, #tpu.memory_space<hbm>> -> memref<1x77x512xf32, #tpu.memory_space<hbm>>
    %dma_wait3A_89 = tpu.memref_squeeze %dma_wait3A_88 : memref<1x77x512xf32, #tpu.memory_space<hbm>> -> memref<77x512xf32, #tpu.memory_space<hbm>>
    %dma_wait3A_90 = arith.constant 0 : i32
    %dma_wait3A_91 = arith.constant 0 : i32
    %dma_wait3A_92 = tpu.memref_slice %arg7[%add3A_85, %dma_wait3A_90, %dma_wait3A_91] : memref<4096x77x512xf32, #tpu.memory_space<hbm>> -> memref<1x77x512xf32, #tpu.memory_space<hbm>>
    %dma_wait3A_93 = tpu.memref_squeeze %dma_wait3A_92 : memref<1x77x512xf32, #tpu.memory_space<hbm>> -> memref<77x512xf32, #tpu.memory_space<hbm>>
    tpu.wait_dma2 semaphore(%arg16 : memref<!tpu.dma_semaphore, #tpu.memory_space<semaphore_mem>>) src(%arg12 : memref<77x512xf32, #tpu.memory_space<vmem>>) dst(%dma_wait3A_93 : memref<77x512xf32, #tpu.memory_space<hbm>>)
    %dma_start3A_94 = arith.constant 127 : i32
    %dma_start3A_95 = arith.constant 0 : i32
    %dma_start3A_96 = arith.constant 0 : i32
    %dma_start3A_97 = tpu.memref_slice %arg12[%dma_start3A_95, %dma_start3A_96] : memref<77x512xf32, #tpu.memory_space<vmem>> -> memref<5x512xf32, #tpu.memory_space<vmem>>
    %dma_start3A_98 = arith.constant 0 : i32
    %dma_start3A_99 = tpu.memref_slice %arg8[%dma_start3A_94, %dma_start3A_98] : memref<128x5xi32, #tpu.memory_space<vmem>> -> memref<1x5xi32, #tpu.memory_space<vmem>>
    %dma_start3A_100 = tpu.memref_squeeze %dma_start3A_99 : memref<1x5xi32, #tpu.memory_space<vmem>> -> memref<5xi32, #tpu.memory_space<vmem>>
    %dma_start3A_101 = arith.constant 0 : i32
    %dma_start3A_102 = arith.constant 0 : i32
    %dma_start3A_103 = tpu.memref_slice %arg5[%dma_start3A_101, %dma_start3A_102] : memref<49408x512xf32, #tpu.memory_space<hbm>> -> memref<49408x512xf32, #tpu.memory_space<hbm>>
    tpu.enqueue_indirect_dma source(%dma_start3A_103 : memref<49408x512xf32, #tpu.memory_space<hbm>>) target(%dma_start3A_97 : memref<5x512xf32, #tpu.memory_space<vmem>>) offsets(%dma_start3A_100 : memref<5xi32, #tpu.memory_space<vmem>>) semaphore(%arg14 : memref<!tpu.dma_semaphore, #tpu.memory_space<semaphore_mem>>)
    %dma_start3A_104 = arith.constant 127 : i32
    %dma_start3A_105 = arith.constant 5 : i32
    %dma_start3A_106 = arith.constant 0 : i32
    %dma_start3A_107 = tpu.memref_slice %arg12[%dma_start3A_105, %dma_start3A_106] : memref<77x512xf32, #tpu.memory_space<vmem>> -> memref<4x512xf32, #tpu.memory_space<vmem>>
    %dma_start3A_108 = arith.constant 0 : i32
    %dma_start3A_109 = tpu.memref_slice %arg10[%dma_start3A_104, %dma_start3A_108] : memref<128x4xi32, #tpu.memory_space<vmem>> -> memref<1x4xi32, #tpu.memory_space<vmem>>
    %dma_start3A_110 = tpu.memref_squeeze %dma_start3A_109 : memref<1x4xi32, #tpu.memory_space<vmem>> -> memref<4xi32, #tpu.memory_space<vmem>>
    %dma_start3A_111 = arith.constant 0 : i32
    %dma_start3A_112 = arith.constant 0 : i32
    %dma_start3A_113 = tpu.memref_slice %arg6[%dma_start3A_111, %dma_start3A_112] : memref<52656x512xf32, #tpu.memory_space<hbm>> -> memref<52656x512xf32, #tpu.memory_space<hbm>>
    tpu.enqueue_indirect_dma source(%dma_start3A_113 : memref<52656x512xf32, #tpu.memory_space<hbm>>) target(%dma_start3A_107 : memref<4x512xf32, #tpu.memory_space<vmem>>) offsets(%dma_start3A_110 : memref<4xi32, #tpu.memory_space<vmem>>) semaphore(%arg14 : memref<!tpu.dma_semaphore, #tpu.memory_space<semaphore_mem>>)
    %dma_start3A_114 = arith.constant 127 : i32
    %dma_start3A_115 = arith.constant 9 : i32
    %dma_start3A_116 = arith.constant 0 : i32
    %dma_start3A_117 = tpu.memref_slice %arg12[%dma_start3A_115, %dma_start3A_116] : memref<77x512xf32, #tpu.memory_space<vmem>> -> memref<68x512xf32, #tpu.memory_space<vmem>>
    %dma_start3A_118 = arith.constant 0 : i32
    %dma_start3A_119 = tpu.memref_slice %arg9[%dma_start3A_114, %dma_start3A_118] : memref<128x68xi32, #tpu.memory_space<vmem>> -> memref<1x68xi32, #tpu.memory_space<vmem>>
    %dma_start3A_120 = tpu.memref_squeeze %dma_start3A_119 : memref<1x68xi32, #tpu.memory_space<vmem>> -> memref<68xi32, #tpu.memory_space<vmem>>
    %dma_start3A_121 = arith.constant 0 : i32
    %dma_start3A_122 = arith.constant 0 : i32
    %dma_start3A_123 = tpu.memref_slice %arg5[%dma_start3A_121, %dma_start3A_122] : memref<49408x512xf32, #tpu.memory_space<hbm>> -> memref<49408x512xf32, #tpu.memory_space<hbm>>
    tpu.enqueue_indirect_dma source(%dma_start3A_123 : memref<49408x512xf32, #tpu.memory_space<hbm>>) target(%dma_start3A_117 : memref<68x512xf32, #tpu.memory_space<vmem>>) offsets(%dma_start3A_120 : memref<68xi32, #tpu.memory_space<vmem>>) semaphore(%arg14 : memref<!tpu.dma_semaphore, #tpu.memory_space<semaphore_mem>>)
    %dma_wait3A_124 = arith.constant 127 : i32
    %dma_wait3A_125 = arith.constant 0 : i32
    %dma_wait3A_126 = arith.constant 0 : i32
    %dma_wait3A_127 = tpu.memref_slice %arg12[%dma_wait3A_125, %dma_wait3A_126] : memref<77x512xf32, #tpu.memory_space<vmem>> -> memref<5x512xf32, #tpu.memory_space<vmem>>
    %dma_wait3A_128 = arith.constant 0 : i32
    %dma_wait3A_129 = tpu.memref_slice %arg8[%dma_wait3A_124, %dma_wait3A_128] : memref<128x5xi32, #tpu.memory_space<vmem>> -> memref<1x5xi32, #tpu.memory_space<vmem>>
    %dma_wait3A_130 = tpu.memref_squeeze %dma_wait3A_129 : memref<1x5xi32, #tpu.memory_space<vmem>> -> memref<5xi32, #tpu.memory_space<vmem>>
    %dma_wait3A_131 = arith.constant 0 : i32
    %dma_wait3A_132 = arith.constant 0 : i32
    %dma_wait3A_133 = tpu.memref_slice %arg5[%dma_wait3A_131, %dma_wait3A_132] : memref<49408x512xf32, #tpu.memory_space<hbm>> -> memref<49408x512xf32, #tpu.memory_space<hbm>>
    tpu.wait_indirect_dma semaphore(%arg14 : memref<!tpu.dma_semaphore, #tpu.memory_space<semaphore_mem>>) src(%dma_wait3A_133 : memref<49408x512xf32, #tpu.memory_space<hbm>>) dst(%dma_wait3A_127 : memref<5x512xf32, #tpu.memory_space<vmem>>)
    %dma_wait3A_134 = arith.constant 127 : i32
    %dma_wait3A_135 = arith.constant 5 : i32
    %dma_wait3A_136 = arith.constant 0 : i32
    %dma_wait3A_137 = tpu.memref_slice %arg12[%dma_wait3A_135, %dma_wait3A_136] : memref<77x512xf32, #tpu.memory_space<vmem>> -> memref<4x512xf32, #tpu.memory_space<vmem>>
    %dma_wait3A_138 = arith.constant 0 : i32
    %dma_wait3A_139 = tpu.memref_slice %arg10[%dma_wait3A_134, %dma_wait3A_138] : memref<128x4xi32, #tpu.memory_space<vmem>> -> memref<1x4xi32, #tpu.memory_space<vmem>>
    %dma_wait3A_140 = tpu.memref_squeeze %dma_wait3A_139 : memref<1x4xi32, #tpu.memory_space<vmem>> -> memref<4xi32, #tpu.memory_space<vmem>>
    %dma_wait3A_141 = arith.constant 0 : i32
    %dma_wait3A_142 = arith.constant 0 : i32
    %dma_wait3A_143 = tpu.memref_slice %arg6[%dma_wait3A_141, %dma_wait3A_142] : memref<52656x512xf32, #tpu.memory_space<hbm>> -> memref<52656x512xf32, #tpu.memory_space<hbm>>
    tpu.wait_indirect_dma semaphore(%arg14 : memref<!tpu.dma_semaphore, #tpu.memory_space<semaphore_mem>>) src(%dma_wait3A_143 : memref<52656x512xf32, #tpu.memory_space<hbm>>) dst(%dma_wait3A_137 : memref<4x512xf32, #tpu.memory_space<vmem>>)
    %dma_wait3A_144 = arith.constant 127 : i32
    %dma_wait3A_145 = arith.constant 9 : i32
    %dma_wait3A_146 = arith.constant 0 : i32
    %dma_wait3A_147 = tpu.memref_slice %arg12[%dma_wait3A_145, %dma_wait3A_146] : memref<77x512xf32, #tpu.memory_space<vmem>> -> memref<68x512xf32, #tpu.memory_space<vmem>>
    %dma_wait3A_148 = arith.constant 0 : i32
    %dma_wait3A_149 = tpu.memref_slice %arg9[%dma_wait3A_144, %dma_wait3A_148] : memref<128x68xi32, #tpu.memory_space<vmem>> -> memref<1x68xi32, #tpu.memory_space<vmem>>
    %dma_wait3A_150 = tpu.memref_squeeze %dma_wait3A_149 : memref<1x68xi32, #tpu.memory_space<vmem>> -> memref<68xi32, #tpu.memory_space<vmem>>
    %dma_wait3A_151 = arith.constant 0 : i32
    %dma_wait3A_152 = arith.constant 0 : i32
    %dma_wait3A_153 = tpu.memref_slice %arg5[%dma_wait3A_151, %dma_wait3A_152] : memref<49408x512xf32, #tpu.memory_space<hbm>> -> memref<49408x512xf32, #tpu.memory_space<hbm>>
    tpu.wait_indirect_dma semaphore(%arg14 : memref<!tpu.dma_semaphore, #tpu.memory_space<semaphore_mem>>) src(%dma_wait3A_153 : memref<49408x512xf32, #tpu.memory_space<hbm>>) dst(%dma_wait3A_147 : memref<68x512xf32, #tpu.memory_space<vmem>>)
    %dma_start3A_154 = arith.constant 0 : i32
    %dma_start3A_155 = arith.constant 0 : i32
    %dma_start3A_156 = tpu.memref_slice %arg7[%add3A_85, %dma_start3A_154, %dma_start3A_155] : memref<4096x77x512xf32, #tpu.memory_space<hbm>> -> memref<1x77x512xf32, #tpu.memory_space<hbm>>
    %dma_start3A_157 = tpu.memref_squeeze %dma_start3A_156 : memref<1x77x512xf32, #tpu.memory_space<hbm>> -> memref<77x512xf32, #tpu.memory_space<hbm>>
    %dma_start3A_158 = arith.constant 0 : i32
    %dma_start3A_159 = arith.constant 0 : i32
    %dma_start3A_160 = tpu.memref_slice %arg7[%add3A_85, %dma_start3A_158, %dma_start3A_159] : memref<4096x77x512xf32, #tpu.memory_space<hbm>> -> memref<1x77x512xf32, #tpu.memory_space<hbm>>
    %dma_start3A_161 = tpu.memref_squeeze %dma_start3A_160 : memref<1x77x512xf32, #tpu.memory_space<hbm>> -> memref<77x512xf32, #tpu.memory_space<hbm>>
    tpu.enqueue_dma source(%arg12 : memref<77x512xf32, #tpu.memory_space<vmem>>) target(%dma_start3A_161 : memref<77x512xf32, #tpu.memory_space<hbm>>) target_semaphore(%arg16 : memref<!tpu.dma_semaphore, #tpu.memory_space<semaphore_mem>>)
    %dma_wait3A_162 = arith.constant 0 : i32
    %dma_wait3A_163 = arith.constant 0 : i32
    %dma_wait3A_164 = tpu.memref_slice %arg7[%mul3A_2, %dma_wait3A_162, %dma_wait3A_163] : memref<4096x77x512xf32, #tpu.memory_space<hbm>> -> memref<1x77x512xf32, #tpu.memory_space<hbm>>
    %dma_wait3A_165 = tpu.memref_squeeze %dma_wait3A_164 : memref<1x77x512xf32, #tpu.memory_space<hbm>> -> memref<77x512xf32, #tpu.memory_space<hbm>>
    %dma_wait3A_166 = arith.constant 0 : i32
    %dma_wait3A_167 = arith.constant 0 : i32
    %dma_wait3A_168 = tpu.memref_slice %arg7[%mul3A_2, %dma_wait3A_166, %dma_wait3A_167] : memref<4096x77x512xf32, #tpu.memory_space<hbm>> -> memref<1x77x512xf32, #tpu.memory_space<hbm>>
    %dma_wait3A_169 = tpu.memref_squeeze %dma_wait3A_168 : memref<1x77x512xf32, #tpu.memory_space<hbm>> -> memref<77x512xf32, #tpu.memory_space<hbm>>
    tpu.wait_dma2 semaphore(%arg15 : memref<!tpu.dma_semaphore, #tpu.memory_space<semaphore_mem>>) src(%arg11 : memref<77x512xf32, #tpu.memory_space<vmem>>) dst(%dma_wait3A_169 : memref<77x512xf32, #tpu.memory_space<hbm>>)
    %dma_wait3A_170 = arith.constant 0 : i32
    %dma_wait3A_171 = arith.constant 0 : i32
    %dma_wait3A_172 = tpu.memref_slice %arg7[%mul3A_2, %dma_wait3A_170, %dma_wait3A_171] : memref<4096x77x512xf32, #tpu.memory_space<hbm>> -> memref<1x77x512xf32, #tpu.memory_space<hbm>>
    %dma_wait3A_173 = tpu.memref_squeeze %dma_wait3A_172 : memref<1x77x512xf32, #tpu.memory_space<hbm>> -> memref<77x512xf32, #tpu.memory_space<hbm>>
    %dma_wait3A_174 = arith.constant 0 : i32
    %dma_wait3A_175 = arith.constant 0 : i32
    %dma_wait3A_176 = tpu.memref_slice %arg7[%mul3A_2, %dma_wait3A_174, %dma_wait3A_175] : memref<4096x77x512xf32, #tpu.memory_space<hbm>> -> memref<1x77x512xf32, #tpu.memory_space<hbm>>
    %dma_wait3A_177 = tpu.memref_squeeze %dma_wait3A_176 : memref<1x77x512xf32, #tpu.memory_space<hbm>> -> memref<77x512xf32, #tpu.memory_space<hbm>>
    tpu.wait_dma2 semaphore(%arg16 : memref<!tpu.dma_semaphore, #tpu.memory_space<semaphore_mem>>) src(%arg12 : memref<77x512xf32, #tpu.memory_space<vmem>>) dst(%dma_wait3A_177 : memref<77x512xf32, #tpu.memory_space<hbm>>)
    %dma_wait3A_178 = arith.constant 0 : i32
    %dma_wait3A_179 = arith.constant 0 : i32
    %dma_wait3A_180 = tpu.memref_slice %arg7[%mul3A_2, %dma_wait3A_178, %dma_wait3A_179] : memref<4096x77x512xf32, #tpu.memory_space<hbm>> -> memref<1x77x512xf32, #tpu.memory_space<hbm>>
    %dma_wait3A_181 = tpu.memref_squeeze %dma_wait3A_180 : memref<1x77x512xf32, #tpu.memory_space<hbm>> -> memref<77x512xf32, #tpu.memory_space<hbm>>
    %dma_wait3A_182 = arith.constant 0 : i32
    %dma_wait3A_183 = arith.constant 0 : i32
    %dma_wait3A_184 = tpu.memref_slice %arg7[%mul3A_2, %dma_wait3A_182, %dma_wait3A_183] : memref<4096x77x512xf32, #tpu.memory_space<hbm>> -> memref<1x77x512xf32, #tpu.memory_space<hbm>>
    %dma_wait3A_185 = tpu.memref_squeeze %dma_wait3A_184 : memref<1x77x512xf32, #tpu.memory_space<hbm>> -> memref<77x512xf32, #tpu.memory_space<hbm>>
    tpu.wait_dma2 semaphore(%arg17 : memref<!tpu.dma_semaphore, #tpu.memory_space<semaphore_mem>>) src(%arg13 : memref<77x512xf32, #tpu.memory_space<vmem>>) dst(%dma_wait3A_185 : memref<77x512xf32, #tpu.memory_space<hbm>>)
    return
  }
}

</mosaic_0001>

<sc_bundles>
// kernel: kernel.3.cloned.1.call-start
scs
__scs_entry_jumppad:
0x0: {  	(pc) =	sbr.rel $0x88, $3  }
0x1: {  	(tag) =	ssettag $0x0;
	lr =	simm.s32 $0x1  }
0x2: {  	[smem:$0x3F9D] =	sst lr;
	_ =	strace $0xD0000000  }
0x3: {  	_ = 	snop  }
0x4: {  	_ = 	snop  }
0x5: {  	_ = 	snop  }
0x6: {  	_ = 	snop  }
0x7: {  	_ = 	snop  }
__scs_overlays_trampoline_lowered:
0x8: {  	[smem:$0x3FAC] =	sst s0  }
0x9: {  	[smem:$0x3FAD] =	sst s1  }
0xa: {  	[smem:$0x3FAE] =	sst s2  }
0xb: {  	[smem:$0x3FAF] =	sst s3  }
0xc: {  	[smem:$0x3FB0] =	sst s4  }
0xd: {  	[smem:$0x3FB1] =	sst s5  }
0xe: {  	[smem:$0x3FB2] =	sst s6  }
0xf: {  	[smem:$0x3FB3] =	sst s7  }
0x10: {  	[smem:$0x3FB4] =	sst s8  }
0x11: {  	[smem:$0x3FB5] =	sst s9;
	s0 =	simm.s32 @!p0 $0x0  }
0x12: {  	s1 =	sld [smem:$0x3F9B];
	s0 =	simm.s32 @p0 $0x1  }
0x13: {  	[smem:$0x3FB6] =	sst s0;
	s0 =	simm.s32 @!p1 $0x0  }
0x14: {  	s2 =	sld [smem:$0x3F9A];
	s0 =	simm.s32 @p1 $0x1  }
0x15: {  	[smem:$0x3FB7] =	sst s0;
	s0 =	simm.s32 @!p2 $0x0  }
0x16: {  	s3 =	sld [smem:$0x3FDB];
	s0 =	simm.s32 @p2 $0x1  }
0x17: {  	s4 =	simm.s32 $0x1BF5;
	[smem:$0x3FB9] =	sst s0  }
0x18: {  	s0 =	sld [smem:$0x3F9C];
	_ =	swait.ge [sflag:s4], $0x0  }
0x19: {  	s7 =	sld [smem:$0x3F9D]  }
0x1a: {  	s8 =	sadd.s32 $0xFFFFE003, lr  }
0x1b: {  	s9 =	sadd.s32 $0xFFFFFEF7, lr;
	s5 =	simm.s32 $0xFFFFFFFF;
	p2 =	slt.u32 s8, $0xFFFFF086  }
0x1c: {  	p1 =	slt.u32 s9, $0xF7A;
	s5 =	simm.s32 @!p2 $0x0  }
0x1d: {  	s5 =	simm.s32 @p1 $0x1;
	p0 =	seq.s32 s7, s2  }
0x1e: {  	s7 =	smul.u32 @!p0 $0xF7A, s2;
	p2 =	seq.s32 @!p0 s5, $0x0  }
0x1f: {  	s9 =	smul.u32 $0xF7A, s1;
	s8 =	simm.s32 @!p0 $0x1BF5;
	p2 =	por !p2, p0  }
0x20: {  	[sflag:s8] =	ssyncset.s32 @!p0 $0xFFFFF086;
	s6 =	sadd.s32 @!p0 s3, s7;
	s7 =	simm.s32 @!p0 $0x108  }
0x21: {  	s3 =	sadd.s32 s3, s9;
	s6 =	sadd.s32 @!p0 $0x88, s6;
	s7 =	simm.s32 @p2 $0x1082  }
0x22: {  	[simem:s7], [sflag:s8] =	dma.local @!p0 [hbm:s6], $0xF7A  }
0x23: {  	s9 =	sor.u32 $0xD0000000, s2;
	s6 =	simm.s32 $0x108;
	_ =	swait.ge @!p0 [sflag:s8], $0x0  }
0x24: {  	s3 =	sadd.s32 $0x88, s3;
	s6 =	simm.s32 @!p1 $0x1082;
	[sflag:s4] =	ssyncset.s32 $0xFFFFF086  }
0x25: {  	[simem:s6], [sflag:s4] =	dma.local [hbm:s3], $0xF7A  }
0x26: {  	[smem:$0x3F9D] =	sst s1;
	(tag) =	ssettag s2;
	_ =	strace s9  }
0x27: {  	s1 =	sld [smem:$0x3FAD]  }
0x28: {  	s2 =	sld [smem:$0x3FAE]  }
0x29: {  	s4 =	sld [smem:$0x3FB0]  }
0x2a: {  	p0 =	seq.s32 s5, $0x0;
	s5 =	sld [smem:$0x3FB1]  }
0x2b: {  	s6 =	sld [smem:$0x3FB2]  }
0x2c: {  	s7 =	sld [smem:$0x3FB3]  }
0x2d: {  	s3 =	simm.s32 $0x108;
	s8 =	sld [smem:$0x3FB4]  }
0x2e: {  	s3 =	simm.s32 @!p0 $0x1082;
	s9 =	sld [smem:$0x3FB5]  }
0x2f: {  	lr =	sadd.s32 s0, s3;
	s0 =	sld [smem:$0x3FAC]  }
0x30: {  	s3 =	sld [smem:$0x3FAF]  }
0x31: {  	[smem:$0x3FB8] =	sst s10  }
0x32: {  	s10 =	sld [smem:$0x3FB6];
	_ =	sdelay $0x3  }
0x33: {  	p0 =	seq.s32 s10, $0x1;
	s10 =	sld [smem:$0x3FB8];
	_ =	sdelay $0x3  }
0x34: {  	[smem:$0x3FB8] =	sst s10  }
0x35: {  	s10 =	sld [smem:$0x3FB7];
	_ =	sdelay $0x3  }
0x36: {  	p1 =	seq.s32 s10, $0x1;
	s10 =	sld [smem:$0x3FB8];
	_ =	sdelay $0x3  }
0x37: {  	[smem:$0x3FB8] =	sst s10  }
0x38: {  	s10 =	sld [smem:$0x3FB9]  }
0x39: {  	_ = 	snop;
	(pc) =	sbr.ind lr, $3  }
0x3a: {  	_ = 	snop  }
0x3b: {  	_ = 	snop  }
0x3c: {  	p2 =	seq.s32 s10, $0x1;
	s10 =	sld [smem:$0x3FB8]  }
0x3d: {  	_ =	shalt  }
0x3e: {  	_ =	shalt  }
0x3f: {  	_ =	shalt  }
0x40: {  	_ =	shalt  }
0x41: {  	_ =	shalt  }
0x42: {  	_ =	shalt  }
0x43: {  	_ =	shalt  }
0x44: {  	_ =	shalt  }
0x45: {  	_ =	shalt  }
0x46: {  	_ =	shalt  }
0x47: {  	_ =	shalt  }
0x48: {  	_ =	shalt  }
0x49: {  	_ =	shalt  }
0x4a: {  	_ =	shalt  }
0x4b: {  	_ =	shalt  }
0x4c: {  	_ =	shalt  }
0x4d: {  	_ =	shalt  }
0x4e: {  	_ =	shalt  }
0x4f: {  	_ =	shalt  }
0x50: {  	_ =	shalt  }
0x51: {  	_ =	shalt  }
0x52: {  	_ =	shalt  }
0x53: {  	_ =	shalt  }
0x54: {  	_ =	shalt  }
0x55: {  	_ =	shalt  }
0x56: {  	_ =	shalt  }
0x57: {  	_ =	shalt  }
0x58: {  	_ =	shalt  }
0x59: {  	_ =	shalt  }
0x5a: {  	_ =	shalt  }
0x5b: {  	_ =	shalt  }
0x5c: {  	_ =	shalt  }
0x5d: {  	_ =	shalt  }
0x5e: {  	_ =	shalt  }
0x5f: {  	_ =	shalt  }
0x60: {  	_ =	shalt  }
0x61: {  	_ =	shalt  }
0x62: {  	_ =	shalt  }
0x63: {  	_ =	shalt  }
0x64: {  	_ =	shalt  }
0x65: {  	_ =	shalt  }
0x66: {  	_ =	shalt  }
0x67: {  	_ =	shalt  }
0x68: {  	_ =	shalt  }
0x69: {  	_ =	shalt  }
0x6a: {  	_ =	shalt  }
0x6b: {  	_ =	shalt  }
0x6c: {  	_ =	shalt  }
0x6d: {  	_ =	shalt  }
0x6e: {  	_ =	shalt  }
0x6f: {  	_ =	shalt  }
0x70: {  	_ =	shalt  }
0x71: {  	_ =	shalt  }
0x72: {  	_ =	shalt  }
0x73: {  	_ =	shalt  }
0x74: {  	_ =	shalt  }
0x75: {  	_ =	shalt  }
0x76: {  	_ =	shalt  }
0x77: {  	_ =	shalt  }
0x78: {  	_ =	shalt  }
0x79: {  	_ =	shalt  }
0x7a: {  	_ =	shalt  }
0x7b: {  	_ =	shalt  }
0x7c: {  	_ =	shalt  }
0x7d: {  	_ =	shalt  }
0x7e: {  	_ =	shalt  }
0x7f: {  	_ =	shalt  }
0x80: {  	_ =	shalt  }
0x81: {  	_ =	shalt  }
0x82: {  	_ =	shalt  }
0x83: {  	_ =	shalt  }
0x84: {  	_ =	shalt  }
0x85: {  	_ =	shalt  }
0x86: {  	_ =	shalt  }
0x87: {  	_ =	shalt  }
.Lfunc_end0:
.L_simem_size_0:
called_computation.3_lowered:
.L_overlay_start_0:
0x88: {  	s2 =	sld [smem:$0x3FD9]  }
0x89: {  	s3 =	sld [smem:$0x3FFE];
	_ =	sdelay $0x1  }
0x8a: {  	s1 =	srdreg.scid  }
0x8b: {  	s0 =	sand.u32 $0x1, s1  }
0x8c: {  	s17 =	sshll.u32 s0, $0xA;
	s2 =	sadd.s32 s3, s2  }
0x8d: {  	s2 =	sadd.s32 s2, s17  }
0x8e: {  	[smem:$0x3FC4] =	sst s2  }
0x8f: {  	_ = 	snop  }
0x90: {  	s2 =	sld [smem:$0x3FD0];
	(tm) =	ssettm $0x1  }
0x91: {  	s18 =	sld [smem:$0x3FFB];
	_ =	sdelay $0x3  }
0x92: {  	_ =	strace s18  }
0x93: {  	s3 =	sld [smem:$0x3FFC];
	_ =	sdelay $0x3  }
0x94: {  	_ =	strace s3  }
0x95: {  	s3 =	sld [smem:$0x3FFD];
	_ =	sdelay $0x3  }
0x96: {  	_ =	strace s3  }
0x97: {  	_ =	strace $0x8FFFFFFF  }
0x98: {  	s19 =	sld [smem:$0x3FDB];
	_ =	sdelay $0x1  }
0x99: {  	s4 =	simm.s32 $_scs_section_size  }
0x9a: {  	s5 =	simm.s32 $_size__tile_overlayer_lowered;
	s6 =	simm.s32 $_tile_overlayer_lowered  }
0x9b: {  	s22 =	simm.s32 $0x1BFF;
	s21 =	sshll.u32 s6, $0x1;
	s3 =	sadd.s32 s4, s19  }
0x9c: {  	s7 =	simm.s32 $0x0;
	s20 =	sshll.u32 s5, $0x1;
	s5 =	sadd.s32 s21, s3  }
0x9d: {  	[timem:s7], [sflag:s22] =	dma.local [hbm:s5], s20  }
0x9e: {  	_ =	swait.ge [sflag:s22], s20  }
0x9f: {  	s4 =	ssub.s32 $0x0, s20;
	[sflag:s22] =	ssyncset.done $0x0  }
0xa0: {  	[sflag:s22] =	ssyncadd.s32 s4;
	_ =	sdelay $0x1  }
0xa1: {  	s23 =	simm.s32 $0x1B8B  }
0xa2: {  	_ =	swait.ge [sflag:s23], $0x1  }
0xa3: {  	[sflag:s23] =	ssyncset.done $0x0  }
0xa4: {  	s25 =	simm.s32 $0x1B8E;
	s24 =	sld [smem:$0x3FFE];
	[sflag:s23] =	ssyncadd.s32 $0xFFFFFFFF  }
0xa5: {  	s26 =	simm.s32 $execute0_lowered;
	[smem:$0x3FD2] =	sst s25  }
0xa6: {  	s5 =	sshll.u32 s26, $0x1;
	_ =	strace $0x8000004C;
	[dreg:$0x1] =	wrdreg $0xFFFFFFFF  }
0xa7: {  	s28 =	simm.s32 $_size_execute0_lowered;
	s3 =	sadd.s32 s3, s5;
	[dreg:$0x0] =	wrdreg $0x0  }
0xa8: {  	s5 =	sshll.u32 s28, $0x1;
	[dreg:$0x2] =	wrdreg s3  }
0xa9: {  	[dreg:$0x3] =	wrdreg s5  }
0xaa: {  	[dreg:$0x4] =	wrdreg $0xC0  }
0xab: {  	_ =	task [dreg:s7], $0x5FFFF  }
0xac: {  	[dreg:$0x1] =	wrdreg $0xFFFFFFFF  }
0xad: {  	[dreg:$0x0] =	wrdreg $0x60  }
0xae: {  	[dreg:$0x2] =	wrdreg s24  }
0xaf: {  	[dreg:$0x3] =	wrdreg s2  }
0xb0: {  	[dreg:$0x4] =	wrdreg $0x9  }
0xb1: {  	_ =	task.clear_ibuf [dreg:s7], $0x5FFFF;
	_ =	strace $0x9000004C  }
0xb2: {  	s29 =	simm.s32 $0x9;
	_ =	strace $0x8000004E  }
0xb3: {  	_ =	swait.ge [sflag:s29], $0x1  }
0xb4: {  	[sflag:s29] =	ssyncadd.s32 $0xFFFFFFFF  }
0xb5: {  	_ =	strace $0x9000004E  }
0xb6: {  	_ =	sfence  }
0xb7: {  	s30 =	sld [smem:$0x0];
	_ =	sdelay $0x2  }
0xb8: {  	s31 =	sshll.u32 s1, $0xD;
	s1 =	sshrl.u32 s1, $0x2  }
0xb9: {  	s3 =	sand.u32 $0x4000, s31;
	s1 =	sadd.s32 s1, s30  }
0xba: {  	s0 =	sor.u32 s3, s0;
	s1 =	sshll.u32 s1, $0x11  }
0xbb: {  	s0 =	sor.u32 s1, s0  }
0xbc: {  	s0 =	sadd.s32 $0x8F2B, s0  }
0xbd: {  	[sflag:s0] =	ssyncadd.remote.s32 $0x1  }
0xbe: {  	_ =	sfence.sel $0xFFFF  }
0xbf: {  	[dreg:$0x0] =	wrdreg $0xFFFFFFFF;
	(pc) =	sbr.abs _section_cstart, $3  }
0xc0: {  	[dreg:$0x1] =	wrdreg $0xFFFFFFFF  }
0xc1: {  	_ =	task.clear_ibuf [dreg:s7], $0x2FFFF;
	_ =	strace $0x9FFFFFFF  }
0xc2: {  	(tm) =	ssettm $0x7FFFFFFF  }
0xc3: {  	_ =	shalt  }
tec
execute0_lowered:
.L_overlay_start_1:
0x0: {  	(tag) =	ssettag $0x1  }
0x1: {  	s0 =	srdreg.scid;
	s1 =	rddreg [dreg:$0x0]  }
0x2: {  	s11 =	stileid.u32;
	s7 =	rddreg [dreg:$0x1]  }
0x3: {  	s2 =	simm.s32 $0x0;
	s12 =	simm.s32 $0x5;
	s14 =	simm.s32 $0x2C00  }
0x4: {  	s15 =	simm.s32 $0x4;
	s16 =	simm.s32 $0x3600;
	s17 =	simm.s32 $0x44  }
0x5: {  	s18 =	simm.s32 $0x3E00;
	s19 =	simm.s32 $0x1;
	s20 =	simm.s32 $0xC600  }
0x6: {  	s21 =	simm.s32 $0xD000;
	s22 =	simm.s32 $0xD800;
	s31 =	simm.s32 $0x16A00  }
0x7: {  	s23 =	simm.s32 $0x16000;
	s24 =	simm.s32 $0x17200;
	s30 =	simm.s32 $0x3  }
0x8: {  	s13 =	simm.s32 $0x0;
	s0 =	sand.u32 $0x1, s0;
	s3 =	sshll.u32 s11, $0x8  }
0x9: {  	[smem:$0x7FF] =	sst s2;
	s26 =	smul.u32 $0x134000, s11;
	s4 =	sshll.u32 s0, $0x7  }
0xa: {  	s5 =	ssub.s32 $0x2, s0;
	s0 =	smul.u32 $0x9A000, s0;
	s4 =	sor.u32 s4, s3  }
0xb: {  	_ =	strace $0x8000004D;
	[dreg:$0x3] =	wrdreg s31;
	s3 =	smul.u32 $0x9, s4  }
0xc: {  	s9 =	sshrl.u32 s5, $0x1;
	s8 =	sadd.s32 s4, s1;
	s10 =	smul.u32 $0x9A00, s4  }
0xd: {  	s4 =	sadd.s32 $0x305800, s1;
	s25 =	ssub.s32 s5, s9;
	s9 =	sadd.s32 s26, s7  }
0xe: {  	s28 =	sadd.s32 $0x645400, s8;
	s0 =	sadd.s32 s0, s9;
	s6 =	sadd.s32 s3, s1  }
0xf: {  	s3 =	sadd.s32 $0x1800, s1;
	[dreg:$0x4] =	wrdreg s28;
	s10 =	sshrl.u32 s10, $0x3  }
0x10: {  	s1 =	sadd.s32 $0x2680, s0;
	s29 =	sadd.s32 $0x63C400, s6;
	s10 =	sadd.s32 s7, s10  }
0x11: {  	s7 =	sadd.s32 $0x646400, s8;
	[dreg:$0x5] =	wrdreg s29;
	s8 =	sadd.s32 $0x97980, s10  }
0x12: {  	s9 =	sadd.s32 $0x98CC0, s10;
	s10 =	smax.u32 s25, $0x1;
	s25 =	simm.s32 $0x2  }
.LBB2_1:
0x13: {  	s0 =	rddreg [dreg:$0x4]  }
0x14: {  	[tilespmem:s2], [sflag:$0x5] =	stream.linear.gather [hbm4b:s0+s2], $0x400, $0x38;
	[tilespmem:$0x1FA00] =	vst v63  }
0x15: {  	_ =	swait.ge [sflag:s12], $0x400  }
0x16: {  	[sflag:s12] =	ssyncset.done $0x0  }
0x17: {  	s6 =	simm.s32 $0x400;
	s5 =	rddreg [dreg:$0x5];
	[sflag:s12] =	ssyncadd.s32 $0xFFFFFC00  }
0x18: {  	[tilespmem:s6], [sflag:$0x5] =	stream.linear.gather [hbm4b:s5+s2], $0x2400, $0x38;
	[tilespmem:$0x1FA00] =	vst v63  }
0x19: {  	_ =	swait.ge [sflag:s12], $0x2400  }
0x1a: {  	[sflag:s12] =	ssyncset.done $0x0  }
0x1b: {  	s11 =	simm.s32 $0x2800;
	[sflag:s12] =	ssyncadd.s32 $0xFFFFDC00  }
0x1c: {  	[tilespmem:s11], [sflag:$0x5] =	stream.linear.gather [hbm4b:s7+s2], $0x400, $0x38;
	[tilespmem:$0x1FA00] =	vst v63  }
0x1d: {  	_ =	swait.ge [sflag:s12], $0x400  }
0x1e: {  	p0 =	por $0x1, $0x1;
	[sflag:s12] =	ssyncset.done $0x0  }
0x1f: {  	s11 =	simm.s32 @!p0 $0x2;
	[sflag:s12] =	ssyncadd.s32 $0xFFFFFC00  }
0x20: {  	_ =	swait.ge @!p0 [sflag:s11], $0x9A00  }
0x21: {  	[sflag:s11] =	ssyncset.done @!p0 $0x0  }
0x22: {  	s26 =	simm.s32 $0x0;
	[sflag:s11] =	ssyncadd.s32 @!p0 $0xFFFF6600  }
0x23: {  	[tilespmem:s14], [sflag:$0x1] =	stream.indirect.gather [hbm4b:s3+s12], $0x200, s26, s12, $0xb8;
	[tilespmem:$0x1FA00] =	vst v63  }
0x24: {  	s5 =	simm.s32 $0x2800  }
0x25: {  	[tilespmem:s16], [sflag:$0x1] =	stream.indirect.gather [hbm4b:s4+s15], $0x200, s5, s15, $0xb8;
	[tilespmem:$0x1FA00] =	vst v63  }
0x26: {  	_ = 	snop  }
0x27: {  	[tilespmem:s18], [sflag:$0x1] =	stream.indirect.gather [hbm4b:s3+s17], $0x200, s6, s17, $0xb8;
	[tilespmem:$0x1FA00] =	vst v63  }
0x28: {  	_ =	swait.ge [sflag:s19], $0xA00  }
0x29: {  	[sflag:s19] =	ssyncset.done $0x0  }
0x2a: {  	[sflag:s19] =	ssyncadd.s32 $0xFFFFF600  }
0x2b: {  	_ =	swait.ge [sflag:s19], $0x800  }
0x2c: {  	[sflag:s19] =	ssyncset.done $0x0  }
0x2d: {  	[sflag:s19] =	ssyncadd.s32 $0xFFFFF800  }
0x2e: {  	_ =	swait.ge [sflag:s19], $0x8800  }
0x2f: {  	[sflag:s19] =	ssyncset.done $0x0  }
0x30: {  	s11 =	simm.s32 @!p0 $0x3;
	s6 =	sadd.s32 $0xFFFFD980, s1;
	[sflag:s19] =	ssyncadd.s32 $0xFFFF7800  }
0x31: {  	[hbm4b:s6+s2] =	stream.linear.scatter [tilespmem:s14], [sflag:$0x2], $0x9A00, $0x38;
	[tilespmem:$0x1FA00] =	vst v63  }
0x32: {  	_ =	swait.ge @!p0 [sflag:s11], $0x9A00  }
0x33: {  	[sflag:s11] =	ssyncset.done @!p0 $0x0  }
0x34: {  	[sflag:s11] =	ssyncadd.s32 @!p0 $0xFFFF6600;
	s11 =	simm.s32 $0x8  }
0x35: {  	[tilespmem:s20], [sflag:$0x1] =	stream.indirect.gather [hbm4b:s3+s12], $0x200, s11, s12, $0xb8;
	[tilespmem:$0x1FA00] =	vst v63  }
0x36: {  	s26 =	simm.s32 $0x2808  }
0x37: {  	[tilespmem:s21], [sflag:$0x1] =	stream.indirect.gather [hbm4b:s4+s15], $0x200, s26, s15, $0xb8;
	[tilespmem:$0x1FA00] =	vst v63  }
0x38: {  	s5 =	simm.s32 $0x448  }
0x39: {  	[tilespmem:s22], [sflag:$0x1] =	stream.indirect.gather [hbm4b:s3+s17], $0x200, s5, s17, $0xb8;
	[tilespmem:$0x1FA00] =	vst v63  }
0x3a: {  	_ =	swait.ge [sflag:s19], $0xA00  }
0x3b: {  	[sflag:s19] =	ssyncset.done $0x0  }
0x3c: {  	[sflag:s19] =	ssyncadd.s32 $0xFFFFF600  }
0x3d: {  	_ =	swait.ge [sflag:s19], $0x800  }
0x3e: {  	[sflag:s19] =	ssyncset.done $0x0  }
0x3f: {  	[sflag:s19] =	ssyncadd.s32 $0xFFFFF800  }
0x40: {  	_ =	swait.ge [sflag:s19], $0x8800  }
0x41: {  	[sflag:s19] =	ssyncset.done $0x0  }
0x42: {  	s6 =	sadd.s32 $0xFFFFECC0, s1;
	s11 =	simm.s32 @!p0 $0x4;
	[sflag:s19] =	ssyncadd.s32 $0xFFFF7800  }
0x43: {  	[hbm4b:s6+s2] =	stream.linear.scatter [tilespmem:s20], [sflag:$0x3], $0x9A00, $0x38;
	[tilespmem:$0x1FA00] =	vst v63  }
0x44: {  	_ =	swait.ge @!p0 [sflag:s11], $0x9A00  }
0x45: {  	[sflag:s11] =	ssyncset.done @!p0 $0x0  }
0x46: {  	s26 =	simm.s32 $0x10;
	[sflag:s11] =	ssyncadd.s32 @!p0 $0xFFFF6600  }
0x47: {  	[tilespmem:s23], [sflag:$0x1] =	stream.indirect.gather [hbm4b:s3+s12], $0x200, s26, s12, $0xb8;
	[tilespmem:$0x1FA00] =	vst v63  }
0x48: {  	s6 =	simm.s32 $0x2810;
	s5 =	rddreg [dreg:$0x3]  }
0x49: {  	[tilespmem:s5], [sflag:$0x1] =	stream.indirect.gather [hbm4b:s4+s15], $0x200, s6, s15, $0xb8;
	[tilespmem:$0x1FA00] =	vst v63  }
0x4a: {  	s26 =	simm.s32 $0x490  }
0x4b: {  	[tilespmem:s24], [sflag:$0x1] =	stream.indirect.gather [hbm4b:s3+s17], $0x200, s26, s17, $0xb8;
	[tilespmem:$0x1FA00] =	vst v63  }
0x4c: {  	_ =	swait.ge [sflag:s19], $0xA00  }
0x4d: {  	[sflag:s19] =	ssyncset.done $0x0  }
0x4e: {  	[sflag:s19] =	ssyncadd.s32 $0xFFFFF600  }
0x4f: {  	_ =	swait.ge [sflag:s19], $0x800  }
0x50: {  	[sflag:s19] =	ssyncset.done $0x0  }
0x51: {  	s29 =	simm.s32 $0x60;
	s31 =	simm.s32 $0xC0;
	[sflag:s19] =	ssyncadd.s32 $0xFFFFF800  }
0x52: {  	s28 =	simm.s32 $0x4D8;
	p0 =	por $0x0, $0x0;
	_ =	swait.ge [sflag:s19], $0x8800  }
0x53: {  	s11 =	smov.u32 s1;
	s26 =	sadd.s32 $0x39C0, s1;
	[sflag:s19] =	ssyncset.done $0x0  }
.LBB2_2:
0x54: {  	s0 =	simm.s32 @!p0 $0x2;
	[sflag:s19] =	ssyncadd.s32 $0xFFFF7800  }
0x55: {  	[hbm4b:s11+s2] =	stream.linear.scatter [tilespmem:s23], [sflag:$0x4], $0x9A00, $0x38;
	[tilespmem:$0x1FA00] =	vst v63  }
0x56: {  	_ =	swait.ge @!p0 [sflag:s0], $0x9A00  }
0x57: {  	[sflag:s0] =	ssyncset.done @!p0 $0x0  }
0x58: {  	[sflag:s0] =	ssyncadd.s32 @!p0 $0xFFFF6600;
	s0 =	sshra.s32 s29, $0x2  }
0x59: {  	[tilespmem:s14], [sflag:$0x1] =	stream.indirect.gather [hbm4b:s3+s12], $0x200, s0, s12, $0xb8;
	[tilespmem:$0x1FA00] =	vst v63  }
0x5a: {  	s6 =	sadd.s32 $0x2800, s0  }
0x5b: {  	[tilespmem:s16], [sflag:$0x1] =	stream.indirect.gather [hbm4b:s4+s15], $0x200, s6, s15, $0xb8;
	[tilespmem:$0x1FA00] =	vst v63  }
0x5c: {  	_ = 	snop  }
0x5d: {  	[tilespmem:s18], [sflag:$0x1] =	stream.indirect.gather [hbm4b:s3+s17], $0x200, s28, s17, $0xb8;
	[tilespmem:$0x1FA00] =	vst v63  }
0x5e: {  	_ =	swait.ge [sflag:s19], $0xA00  }
0x5f: {  	[sflag:s19] =	ssyncset.done $0x0  }
0x60: {  	[sflag:s19] =	ssyncadd.s32 $0xFFFFF600  }
0x61: {  	_ =	swait.ge [sflag:s19], $0x800  }
0x62: {  	[sflag:s19] =	ssyncset.done $0x0  }
0x63: {  	[sflag:s19] =	ssyncadd.s32 $0xFFFFF800  }
0x64: {  	s5 =	smov.u32 s31;
	_ =	swait.ge [sflag:s19], $0x8800  }
0x65: {  	s29 =	smov.u32 s5;
	[sflag:s19] =	ssyncset.done $0x0  }
0x66: {  	s5 =	sadd.s32 $0xFFFFD980, s26;
	s6 =	simm.s32 @!p0 $0x3;
	[sflag:s19] =	ssyncadd.s32 $0xFFFF7800  }
0x67: {  	[hbm4b:s5+s2] =	stream.linear.scatter [tilespmem:s14], [sflag:$0x2], $0x9A00, $0x38;
	[tilespmem:$0x1FA00] =	vst v63  }
0x68: {  	_ =	swait.ge @!p0 [sflag:s6], $0x9A00  }
0x69: {  	[sflag:s6] =	ssyncset.done @!p0 $0x0  }
0x6a: {  	[sflag:s6] =	ssyncadd.s32 @!p0 $0xFFFF6600;
	s6 =	sadd.s32 $0x8, s0  }
0x6b: {  	[tilespmem:s20], [sflag:$0x1] =	stream.indirect.gather [hbm4b:s3+s12], $0x200, s6, s12, $0xb8;
	[tilespmem:$0x1FA00] =	vst v63  }
0x6c: {  	s6 =	sadd.s32 $0x2808, s0  }
0x6d: {  	[tilespmem:s21], [sflag:$0x1] =	stream.indirect.gather [hbm4b:s4+s15], $0x200, s6, s15, $0xb8;
	[tilespmem:$0x1FA00] =	vst v63  }
0x6e: {  	s6 =	sadd.s32 $0x48, s28  }
0x6f: {  	[tilespmem:s22], [sflag:$0x1] =	stream.indirect.gather [hbm4b:s3+s17], $0x200, s6, s17, $0xb8;
	[tilespmem:$0x1FA00] =	vst v63  }
0x70: {  	_ =	swait.ge [sflag:s19], $0xA00  }
0x71: {  	[sflag:s19] =	ssyncset.done $0x0  }
0x72: {  	[sflag:s19] =	ssyncadd.s32 $0xFFFFF600  }
0x73: {  	_ =	swait.ge [sflag:s19], $0x800  }
0x74: {  	[sflag:s19] =	ssyncset.done $0x0  }
0x75: {  	[sflag:s19] =	ssyncadd.s32 $0xFFFFF800  }
0x76: {  	_ =	swait.ge [sflag:s19], $0x8800  }
0x77: {  	[sflag:s19] =	ssyncset.done $0x0  }
0x78: {  	s5 =	sadd.s32 $0xFFFFECC0, s26;
	s6 =	simm.s32 @!p0 $0x4;
	[sflag:s19] =	ssyncadd.s32 $0xFFFF7800  }
0x79: {  	[hbm4b:s5+s2] =	stream.linear.scatter [tilespmem:s20], [sflag:$0x3], $0x9A00, $0x38;
	[tilespmem:$0x1FA00] =	vst v63  }
0x7a: {  	_ =	swait.ge @!p0 [sflag:s6], $0x9A00  }
0x7b: {  	[sflag:s6] =	ssyncset.done @!p0 $0x0  }
0x7c: {  	s5 =	sadd.s32 $0x10, s0;
	[sflag:s6] =	ssyncadd.s32 @!p0 $0xFFFF6600  }
0x7d: {  	[tilespmem:s23], [sflag:$0x1] =	stream.indirect.gather [hbm4b:s3+s12], $0x200, s5, s12, $0xb8;
	[tilespmem:$0x1FA00] =	vst v63  }
0x7e: {  	s0 =	sadd.s32 $0x2810, s0;
	s6 =	rddreg [dreg:$0x3]  }
0x7f: {  	[tilespmem:s6], [sflag:$0x1] =	stream.indirect.gather [hbm4b:s4+s15], $0x200, s0, s15, $0xb8;
	[tilespmem:$0x1FA00] =	vst v63  }
0x80: {  	s6 =	sadd.s32 $0x90, s28  }
0x81: {  	[tilespmem:s24], [sflag:$0x1] =	stream.indirect.gather [hbm4b:s3+s17], $0x200, s6, s17, $0xb8;
	[tilespmem:$0x1FA00] =	vst v63  }
0x82: {  	_ =	swait.ge [sflag:s19], $0xA00  }
0x83: {  	s31 =	sadd.s32 $0x60, s31;
	[sflag:s19] =	ssyncset.done $0x0  }
0x84: {  	p1 =	sne.s32 s31, $0xFC0;
	[sflag:s19] =	ssyncadd.s32 $0xFFFFF600  }
.Ltmp0:
0x85: {  	_ =	swait.ge [sflag:s19], $0x800;
	(pc) =	sbr.rel @p1 .LBB2_2-.Ltmp0, $4  }
0x86: {  	[sflag:s19] =	ssyncset.done $0x0  }
0x87: {  	[sflag:s19] =	ssyncadd.s32 $0xFFFFF800  }
0x88: {  	s11 =	smov.u32 s26;
	s26 =	sadd.s32 $0x39C0, s26;
	_ =	swait.ge [sflag:s19], $0x8800  }
0x89: {  	p0 =	seq.s32 s29, $0x0;
	s28 =	sadd.s32 $0xD8, s28;
	[sflag:s19] =	ssyncset.done $0x0  }
0x8a: {  	s0 =	simm.s32 @!p0 $0x2;
	[sflag:s19] =	ssyncadd.s32 $0xFFFF7800  }
0x8b: {  	[hbm4b:s11+s2] =	stream.linear.scatter [tilespmem:s23], [sflag:$0x4], $0x9A00, $0x38;
	[tilespmem:$0x1FA00] =	vst v63  }
0x8c: {  	_ =	swait.ge @!p0 [sflag:s0], $0x9A00  }
0x8d: {  	[sflag:s0] =	ssyncset.done @!p0 $0x0  }
0x8e: {  	[sflag:s0] =	ssyncadd.s32 @!p0 $0xFFFF6600;
	s0 =	sshra.s32 s29, $0x2  }
0x8f: {  	[tilespmem:s14], [sflag:$0x1] =	stream.indirect.gather [hbm4b:s3+s12], $0x200, s0, s12, $0xb8;
	[tilespmem:$0x1FA00] =	vst v63  }
0x90: {  	s5 =	sadd.s32 $0x2800, s0  }
0x91: {  	[tilespmem:s16], [sflag:$0x1] =	stream.indirect.gather [hbm4b:s4+s15], $0x200, s5, s15, $0xb8;
	[tilespmem:$0x1FA00] =	vst v63  }
0x92: {  	_ = 	snop  }
0x93: {  	[tilespmem:s18], [sflag:$0x1] =	stream.indirect.gather [hbm4b:s3+s17], $0x200, s28, s17, $0xb8;
	[tilespmem:$0x1FA00] =	vst v63  }
0x94: {  	_ =	swait.ge [sflag:s19], $0xA00  }
0x95: {  	[sflag:s19] =	ssyncset.done $0x0  }
0x96: {  	[sflag:s19] =	ssyncadd.s32 $0xFFFFF600  }
0x97: {  	_ =	swait.ge [sflag:s19], $0x800  }
0x98: {  	[sflag:s19] =	ssyncset.done $0x0  }
0x99: {  	[sflag:s19] =	ssyncadd.s32 $0xFFFFF800  }
0x9a: {  	_ =	swait.ge [sflag:s19], $0x8800  }
0x9b: {  	[sflag:s19] =	ssyncset.done $0x0  }
0x9c: {  	s6 =	simm.s32 @!p0 $0x3;
	s11 =	sadd.s32 $0xFFFFD980, s26;
	[sflag:s19] =	ssyncadd.s32 $0xFFFF7800  }
0x9d: {  	[hbm4b:s11+s2] =	stream.linear.scatter [tilespmem:s14], [sflag:$0x2], $0x9A00, $0x38;
	[tilespmem:$0x1FA00] =	vst v63  }
0x9e: {  	_ =	swait.ge @!p0 [sflag:s6], $0x9A00  }
0x9f: {  	[sflag:s6] =	ssyncset.done @!p0 $0x0  }
0xa0: {  	s29 =	sadd.s32 $0x8, s0;
	[sflag:s6] =	ssyncadd.s32 @!p0 $0xFFFF6600  }
0xa1: {  	[tilespmem:s20], [sflag:$0x1] =	stream.indirect.gather [hbm4b:s3+s12], $0x200, s29, s12, $0xb8;
	[tilespmem:$0x1FA00] =	vst v63  }
0xa2: {  	s31 =	sadd.s32 $0x2808, s0  }
0xa3: {  	[tilespmem:s21], [sflag:$0x1] =	stream.indirect.gather [hbm4b:s4+s15], $0x200, s31, s15, $0xb8;
	[tilespmem:$0x1FA00] =	vst v63  }
0xa4: {  	s6 =	sadd.s32 $0x48, s28  }
0xa5: {  	[tilespmem:s22], [sflag:$0x1] =	stream.indirect.gather [hbm4b:s3+s17], $0x200, s6, s17, $0xb8;
	[tilespmem:$0x1FA00] =	vst v63  }
0xa6: {  	_ =	swait.ge [sflag:s19], $0xA00  }
0xa7: {  	[sflag:s19] =	ssyncset.done $0x0  }
0xa8: {  	[sflag:s19] =	ssyncadd.s32 $0xFFFFF600  }
0xa9: {  	_ =	swait.ge [sflag:s19], $0x800  }
0xaa: {  	[sflag:s19] =	ssyncset.done $0x0  }
0xab: {  	[sflag:s19] =	ssyncadd.s32 $0xFFFFF800  }
0xac: {  	_ =	swait.ge [sflag:s19], $0x8800  }
0xad: {  	[sflag:s19] =	ssyncset.done $0x0  }
0xae: {  	s11 =	sadd.s32 $0xFFFFECC0, s26;
	s6 =	simm.s32 @!p0 $0x4;
	[sflag:s19] =	ssyncadd.s32 $0xFFFF7800  }
0xaf: {  	[hbm4b:s11+s2] =	stream.linear.scatter [tilespmem:s20], [sflag:$0x3], $0x9A00, $0x38;
	[tilespmem:$0x1FA00] =	vst v63  }
0xb0: {  	_ =	swait.ge @!p0 [sflag:s6], $0x9A00  }
0xb1: {  	[sflag:s6] =	ssyncset.done @!p0 $0x0  }
0xb2: {  	s29 =	sadd.s32 $0x10, s0;
	[sflag:s6] =	ssyncadd.s32 @!p0 $0xFFFF6600  }
0xb3: {  	[tilespmem:s23], [sflag:$0x1] =	stream.indirect.gather [hbm4b:s3+s12], $0x200, s29, s12, $0xb8;
	[tilespmem:$0x1FA00] =	vst v63  }
0xb4: {  	s0 =	sadd.s32 $0x2810, s0;
	s31 =	rddreg [dreg:$0x3]  }
0xb5: {  	[tilespmem:s31], [sflag:$0x1] =	stream.indirect.gather [hbm4b:s4+s15], $0x200, s0, s15, $0xb8;
	[tilespmem:$0x1FA00] =	vst v63  }
0xb6: {  	s5 =	sadd.s32 $0x90, s28  }
0xb7: {  	[tilespmem:s24], [sflag:$0x1] =	stream.indirect.gather [hbm4b:s3+s17], $0x200, s5, s17, $0xb8;
	[tilespmem:$0x1FA00] =	vst v63  }
0xb8: {  	_ =	swait.ge [sflag:s19], $0xA00  }
0xb9: {  	[sflag:s19] =	ssyncset.done $0x0  }
0xba: {  	[sflag:s19] =	ssyncadd.s32 $0xFFFFF600  }
0xbb: {  	_ =	swait.ge [sflag:s19], $0x800  }
0xbc: {  	[sflag:s19] =	ssyncset.done $0x0  }
0xbd: {  	[sflag:s19] =	ssyncadd.s32 $0xFFFFF800  }
0xbe: {  	_ =	swait.ge [sflag:s19], $0x8800  }
0xbf: {  	[sflag:s19] =	ssyncset.done $0x0  }
0xc0: {  	[sflag:s19] =	ssyncadd.s32 $0xFFFF7800  }
0xc1: {  	[hbm4b:s26+s2] =	stream.linear.scatter [tilespmem:s23], [sflag:$0x4], $0x9A00, $0x38;
	[tilespmem:$0x1FA00] =	vst v63  }
0xc2: {  	_ =	swait.ge [sflag:s25], $0x9A00  }
0xc3: {  	[sflag:s25] =	ssyncset.done $0x0  }
0xc4: {  	s6 =	simm.s32 $0x3F0;
	[sflag:s25] =	ssyncadd.s32 $0xFFFF6600  }
0xc5: {  	[tilespmem:s14], [sflag:$0x1] =	stream.indirect.gather [hbm4b:s3+s12], $0x200, s6, s12, $0xb8;
	[tilespmem:$0x1FA00] =	vst v63  }
0xc6: {  	s11 =	simm.s32 $0x2BF0  }
0xc7: {  	[tilespmem:s16], [sflag:$0x1] =	stream.indirect.gather [hbm4b:s4+s15], $0x200, s11, s15, $0xb8;
	[tilespmem:$0x1FA00] =	vst v63  }
0xc8: {  	s26 =	simm.s32 $0x2770  }
0xc9: {  	[tilespmem:s18], [sflag:$0x1] =	stream.indirect.gather [hbm4b:s3+s17], $0x200, s26, s17, $0xb8;
	[tilespmem:$0x1FA00] =	vst v63  }
0xca: {  	_ =	swait.ge [sflag:s19], $0xA00  }
0xcb: {  	[sflag:s19] =	ssyncset.done $0x0  }
0xcc: {  	[sflag:s19] =	ssyncadd.s32 $0xFFFFF600  }
0xcd: {  	_ =	swait.ge [sflag:s19], $0x800  }
0xce: {  	[sflag:s19] =	ssyncset.done $0x0  }
0xcf: {  	[sflag:s19] =	ssyncadd.s32 $0xFFFFF800  }
0xd0: {  	_ =	swait.ge [sflag:s19], $0x8800  }
0xd1: {  	[sflag:s19] =	ssyncset.done $0x0  }
0xd2: {  	[sflag:s19] =	ssyncadd.s32 $0xFFFF7800  }
0xd3: {  	[hbm4b:s8+s2] =	stream.linear.scatter [tilespmem:s14], [sflag:$0x2], $0x9A00, $0x38;
	[tilespmem:$0x1FA00] =	vst v63  }
0xd4: {  	_ =	swait.ge [sflag:s30], $0x9A00  }
0xd5: {  	[sflag:s30] =	ssyncset.done $0x0  }
0xd6: {  	s28 =	simm.s32 $0x3F8;
	[sflag:s30] =	ssyncadd.s32 $0xFFFF6600  }
0xd7: {  	[tilespmem:s20], [sflag:$0x1] =	stream.indirect.gather [hbm4b:s3+s12], $0x200, s28, s12, $0xb8;
	[tilespmem:$0x1FA00] =	vst v63  }
0xd8: {  	s29 =	simm.s32 $0x2BF8  }
0xd9: {  	[tilespmem:s21], [sflag:$0x1] =	stream.indirect.gather [hbm4b:s4+s15], $0x200, s29, s15, $0xb8;
	[tilespmem:$0x1FA00] =	vst v63  }
0xda: {  	s31 =	simm.s32 $0x27B8  }
0xdb: {  	[tilespmem:s22], [sflag:$0x1] =	stream.indirect.gather [hbm4b:s3+s17], $0x200, s31, s17, $0xb8;
	[tilespmem:$0x1FA00] =	vst v63  }
0xdc: {  	_ =	swait.ge [sflag:s19], $0xA00  }
0xdd: {  	[sflag:s19] =	ssyncset.done $0x0  }
0xde: {  	[sflag:s19] =	ssyncadd.s32 $0xFFFFF600  }
0xdf: {  	_ =	swait.ge [sflag:s19], $0x800  }
0xe0: {  	[sflag:s19] =	ssyncset.done $0x0  }
0xe1: {  	[sflag:s19] =	ssyncadd.s32 $0xFFFFF800  }
0xe2: {  	_ =	swait.ge [sflag:s19], $0x8800  }
0xe3: {  	[sflag:s19] =	ssyncset.done $0x0  }
0xe4: {  	[sflag:s19] =	ssyncadd.s32 $0xFFFF7800  }
0xe5: {  	[hbm4b:s9+s2] =	stream.linear.scatter [tilespmem:s20], [sflag:$0x3], $0x9A00, $0x38;
	[tilespmem:$0x1FA00] =	vst v63  }
0xe6: {  	_ =	swait.ge [sflag:s25], $0x9A00  }
0xe7: {  	[sflag:s25] =	ssyncset.done $0x0  }
0xe8: {  	s13 =	sadd.s32 $0x1, s13;
	[sflag:s25] =	ssyncadd.s32 $0xFFFF6600  }
0xe9: {  	p0 =	sne.s32 s13, s10;
	_ =	swait.ge [sflag:s30], $0x9A00  }
.Ltmp1:
0xea: {  	[sflag:s30] =	ssyncset.done $0x0;
	(pc) =	sbr.rel @p0 .LBB2_1-.Ltmp1, $4  }
0xeb: {  	[sflag:s30] =	ssyncadd.s32 $0xFFFF6600  }
0xec: {  	_ =	swait.ge [sflag:s15], $0x9A00  }
0xed: {  	[sflag:s15] =	ssyncset.done $0x0  }
0xee: {  	[sflag:s15] =	ssyncadd.s32 $0xFFFF6600  }
0xef: {  	_ =	sfence.sel $0x180000  }
0xf0: {  	[bflag:$0x0] =	sbarrier.arrive $0xFFFF  }
0xf1: {  	_ =	strace $0x9000004D  }
0xf2: {  	s0 =	stileid.u32;
	[bflag:$0x2] =	sbarrier.arrive $0xFFFF  }
0xf3: {  	p0 =	sne.s32 s0, $0x0;
	s0 =	rddreg [dreg:$0x2]  }
0xf4: {  	s0 =	sadd.s32 @!p0 $0x100000, s0  }
0xf5: {  	[sflag:s0] =	ssyncadd.tile.s32 @!p0 $0x1;
	_ =	shalt  }
.Lfunc_end2:
_tile_overlayer_lowered:
.L_overlay_start_2:
0xf6: {  	(tag) =	ssettag $0x2  }
0xf7: {  	s0 =	rddreg [dreg:$0x0];
	s2 =	stileid.u32  }
0xf8: {  	s1 =	rddreg [dreg:$0x1];
	p0 =	sne.s32 s2, $0x0  }
0xf9: {  	s3 =	rddreg [dreg:$0x2];
	[bflag:$0x3] =	sbarrier.arrive $0xFFFF;
	s2 =	simm.s32 @!p0 $0x1C05  }
0xfa: {  	[timem:s3], [sflag:s2] =	dma.local @!p0 [hbm:s0], s1  }
0xfb: {  	s0 =	simm.s32 @!p0 $0x5  }
0xfc: {  	_ =	swait.ge @!p0 [sflag:s0], s1  }
0xfd: {  	s1 =	ssub.s32 @!p0 $0x0, s1;
	[sflag:s0] =	ssyncset.done @!p0 $0x0  }
0xfe: {  	[sflag:s0] =	ssyncadd.s32 @!p0 s1  }
0xff: {  	[bflag:$0x3] =	sbarrier.arrive $0xFFFF  }
0x100: {  	_ =	shalt  }

// kernel: sparse-core-data-format-call.1.cloned.1.call-start
scs
called_computation.1_lowered:
.L_overlay_start_0:
0x0: {  	s2 =	sld [smem:$0x3FD9]  }
0x1: {  	s3 =	sld [smem:$0x3FFE];
	_ =	sdelay $0x1  }
0x2: {  	s1 =	srdreg.scid  }
0x3: {  	s0 =	sand.u32 $0x1, s1  }
0x4: {  	s18 =	sshll.u32 s0, $0xA;
	s2 =	sadd.s32 s3, s2  }
0x5: {  	s2 =	sadd.s32 s2, s18  }
0x6: {  	[smem:$0x3FC4] =	sst s2  }
0x7: {  	_ = 	snop  }
0x8: {  	s19 =	sld [smem:$0x3FC6];
	(tm) =	ssettm $0x1  }
0x9: {  	s20 =	sld [smem:$0x3FFB];
	_ =	sdelay $0x3  }
0xa: {  	_ =	strace s20  }
0xb: {  	s2 =	sld [smem:$0x3FFC];
	_ =	sdelay $0x3  }
0xc: {  	_ =	strace s2  }
0xd: {  	s2 =	sld [smem:$0x3FFD];
	_ =	sdelay $0x3  }
0xe: {  	_ =	strace s2  }
0xf: {  	_ =	strace $0x8FFFFFFF  }
0x10: {  	s21 =	sld [smem:$0x3FDB];
	_ =	sdelay $0x1  }
0x11: {  	s4 =	simm.s32 $_scs_section_size  }
0x12: {  	s5 =	simm.s32 $_size__tile_overlayer_lowered;
	s6 =	simm.s32 $_tile_overlayer_lowered  }
0x13: {  	s7 =	simm.s32 $0x1BFF;
	s22 =	sshll.u32 s6, $0x1;
	s4 =	sadd.s32 s4, s21  }
0x14: {  	s23 =	simm.s32 $0x0;
	s5 =	sshll.u32 s5, $0x1;
	s6 =	sadd.s32 s22, s4  }
0x15: {  	[timem:s23], [sflag:s7] =	dma.local [hbm:s6], s5  }
0x16: {  	_ =	swait.ge [sflag:s7], s5  }
0x17: {  	s5 =	ssub.s32 $0x0, s5;
	[sflag:s7] =	ssyncset.done $0x0  }
0x18: {  	[sflag:s7] =	ssyncadd.s32 s5;
	_ =	sdelay $0x1  }
0x19: {  	s24 =	simm.s32 $0x1B8B  }
0x1a: {  	_ =	swait.ge [sflag:s24], $0x1  }
0x1b: {  	[sflag:s24] =	ssyncset.done $0x0  }
0x1c: {  	[sflag:s24] =	ssyncadd.s32 $0xFFFFFFFF  }
0x1d: {  	s5 =	sld [smem:$0x0]  }
0x1e: {  	s6 =	sand.u32 $0xFFFFFFFE, s1  }
0x1f: {  	p0 =	sne.s32 s1, s6  }
0x20: {  	s6 =	sshll.u32 @p0 s6, $0xE  }
0x21: {  	s6 =	sadd.s32 @p0 $0x11B8D, s6;
	s7 =	sshll.u32 @p0 s5, $0x11  }
0x22: {  	s6 =	sor.u32 @p0 s7, s6  }
0x23: {  	[sflag:s6] =	ssyncadd.remote.s32 @p0 $0x1;
	_ =	sdelay $0x1  }
0x24: {  	s6 =	simm.s32 @p0 $0x1B8D  }
0x25: {  	_ =	swait.eq @p0 [sflag:s6], $0x1  }
0x26: {  	[sflag:s6] =	ssyncadd.s32 @p0 $0xFFFFFFFF  }
0x27: {  	s7 =	sshll.u32 @!p0 s1, $0xE  }
0x28: {  	s7 =	sor.u32 @!p0 $0x4000, s7;
	s6 =	simm.s32 @!p0 $0x1B8D  }
0x29: {  	s5 =	sshll.u32 @!p0 s5, $0x11;
	s7 =	sadd.s32 @!p0 $0x11B8D, s7;
	_ =	swait.eq @!p0 [sflag:s6], $0x1  }
0x2a: {  	s5 =	sor.u32 @!p0 s5, s7;
	[sflag:s6] =	ssyncadd.s32 @!p0 $0xFFFFFFFF  }
0x2b: {  	s26 =	simm.s32 $0x1B8E;
	s25 =	sld [smem:$0x3FFE];
	[sflag:s5] =	ssyncadd.remote.s32 @!p0 $0x1  }
0x2c: {  	s27 =	simm.s32 $execute0_lowered;
	[smem:$0x3FD2] =	sst s26  }
0x2d: {  	s6 =	sshll.u32 s27, $0x1;
	_ =	strace $0x80000049;
	[dreg:$0x1] =	wrdreg $0xFFFFFFFF  }
0x2e: {  	s28 =	simm.s32 $_size_execute0_lowered;
	s4 =	sadd.s32 s4, s6;
	[dreg:$0x0] =	wrdreg $0x0  }
0x2f: {  	s6 =	sshll.u32 s28, $0x1;
	[dreg:$0x2] =	wrdreg s4  }
0x30: {  	[dreg:$0x3] =	wrdreg s6  }
0x31: {  	[dreg:$0x4] =	wrdreg $0xC0  }
0x32: {  	_ =	task [dreg:s23], $0x5FFFF  }
0x33: {  	[dreg:$0x1] =	wrdreg $0xFFFFFFFF  }
0x34: {  	[dreg:$0x0] =	wrdreg $0x60  }
0x35: {  	[dreg:$0x2] =	wrdreg s19  }
0x36: {  	[dreg:$0x3] =	wrdreg s25  }
0x37: {  	[dreg:$0x4] =	wrdreg $0x9  }
0x38: {  	_ =	task.clear_ibuf [dreg:s23], $0x5FFFF;
	_ =	strace $0x90000049  }
0x39: {  	s29 =	simm.s32 $0x9;
	_ =	strace $0x8000004B  }
0x3a: {  	_ =	swait.ge [sflag:s29], $0x1  }
0x3b: {  	[sflag:s29] =	ssyncadd.s32 $0xFFFFFFFF  }
0x3c: {  	_ =	strace $0x9000004B  }
0x3d: {  	_ =	sfence  }
0x3e: {  	s30 =	sld [smem:$0x0];
	_ =	sdelay $0x2  }
0x3f: {  	s31 =	sshll.u32 s1, $0xD;
	s1 =	sshrl.u32 s1, $0x2  }
0x40: {  	s4 =	sand.u32 $0x4000, s31;
	s1 =	sadd.s32 s1, s30  }
0x41: {  	s0 =	sor.u32 s4, s0;
	s1 =	sshll.u32 s1, $0x11  }
0x42: {  	s0 =	sor.u32 s1, s0  }
0x43: {  	s0 =	sadd.s32 $0x8F2B, s0  }
0x44: {  	[sflag:s0] =	ssyncadd.remote.s32 $0x1  }
0x45: {  	_ =	sfence.sel $0xFFFF  }
0x46: {  	[dreg:$0x0] =	wrdreg $0xFFFFFFFF;
	(pc) =	sbr.abs _section_cstart, $3  }
0x47: {  	[dreg:$0x1] =	wrdreg $0xFFFFFFFF  }
0x48: {  	_ =	task.clear_ibuf [dreg:s23], $0x2FFFF;
	_ =	strace $0x9FFFFFFF  }
0x49: {  	(tm) =	ssettm $0x7FFFFFFF  }
tec
execute0_lowered:
.L_overlay_start_1:
0x0: {  	(tag) =	ssettag $0x1  }
0x1: {  	s0 =	srdreg.scid;
	s2 =	rddreg [dreg:$0x0]  }
0x2: {  	s5 =	rddreg [dreg:$0x1];
	s1 =	stileid.u32  }
0x3: {  	s4 =	simm.s32 $0x1;
	s6 =	simm.s32 $0x2;
	s0 =	sshll.u32 s0, $0x4  }
0x4: {  	s8 =	simm.s32 $0x0;
	s9 =	simm.s32 $0x0;
	s3 =	sand.u32 $0x10, s0  }
.Ltmp0:
0x5: {  	s13 =	simm.s32 $0x0;
	s3 =	sor.u32 s1, s3;
	(pc) =	sbr.rel .LBB1_1-.Ltmp0, $4  }
0x6: {  	s0 =	rddreg [dreg:$0x2];
	_ =	strace $0x8000004A;
	s3 =	sshll.u32 s3, $0x3  }
0x7: {  	s10 =	simm.s32 $0x0;
	[sflag:s4] =	ssyncpa.u1 $0x0;
	s7 =	ssub.s32 $0x3368, s3  }
0x8: {  	s12 =	simm.s32 $0x0;
	[sflag:s6] =	ssyncpa.u1 $0x0;
	s6 =	sshrl.u32 s7, $0x8  }
0x9: {  	s5 =	sadd.s32 $0x305800, s5;
	s11 =	smov.u32 s3;
	s7 =	sadd.s32 $0x2, s6  }
.LBB1_9:
0xa: {  	s15 =	sshll.u32 s12, $0xE  }
0xb: {  	s16 =	sshll.u32 s10, $0x8;
	s15 =	sand.u32 $0x4000, s15  }
0xc: {  	s16 =	sadd.s32 s5, s16;
	s15 =	sor.u32 $0x8000, s15  }
0xd: {  	[hbm4b:s16+s8] =	stream.linear.scatter [tilespmem:s15], [sflag:$0x2], s14, $0x38;
	[tilespmem:$0x10000] =	vst v63  }
.LBB1_10:
0xe: {  	p0 =	slt.u32 s12, $0x2  }
0xf: {  	p1 =	sgt.s32 @!p0 s13, $0x3364  }
0x10: {  	s14 =	smov.u32 s13;
	s15 =	sshra.s32 @!p0 s13, $0x1F;
	p1 =	por !p1, p0  }
0x11: {  	s13 =	sand.u32 @!p0 s15, s13;
	s14 =	simm.s32 @p1 $0x3364  }
0x12: {  	s13 =	ssub.s32 @!p0 s14, s13  }
0x13: {  	s13 =	sadd.s32 @!p0 $0xFFFFCC9C, s13  }
0x14: {  	s14 =	sshll.u32 @!p0 s13, $0xD  }
0x15: {  	p1 =	sgt.s32 @!p0 s13, $0x7;
	s13 =	ssub.s32 @!p0 $0x10000, s14  }
0x16: {  	s15 =	sadd.s32 $0x100, s11;
	p1 =	por !p1, p0;
	s13 =	sshrl.u32 @!p0 s13, $0x2  }
0x17: {  	s13 =	simm.s32 @!p1 $0x0;
	p1 =	sgt.s32 s15, $0x336B  }
0x18: {  	s15 =	smov.u32 @p1 s3;
	p1 =	sne.s32 s12, s7  }
.Ltmp1:
0x19: {  	_ = 	snop;
	(pc) =	sbr.rel @!p1 .LBB1_11-.Ltmp1, $4  }
0x1a: {  	s14 =	simm.s32 @!p0 $0x2  }
0x1b: {  	s9 =	sadd.s32 $0x4000, s9;
	_ =	swait.ge @!p0 [sflag:s14], s13;
	s16 =	ssub.s32 @!p0 $0x0, s13  }
0x1c: {  	s13 =	smov.u32 s10;
	s12 =	sadd.s32 $0x1, s12;
	[sflag:s14] =	ssyncset.done @!p0 $0x0  }
0x1d: {  	s10 =	smov.u32 s11;
	s11 =	smov.u32 s15;
	[sflag:s14] =	ssyncadd.s32 @!p0 s16  }
.LBB1_1:
0x1e: {  	p0 =	sgt.u32 s12, s6  }
0x1f: {  	p1 =	sgt.s32 @!p0 s11, $0x3364  }
0x20: {  	s14 =	smov.u32 s11;
	s15 =	sshra.s32 @!p0 s11, $0x1F;
	p1 =	por !p1, p0  }
0x21: {  	s15 =	sand.u32 @!p0 s15, s11;
	s14 =	simm.s32 @p1 $0x3364  }
0x22: {  	s14 =	ssub.s32 @!p0 s14, s15  }
0x23: {  	s14 =	sadd.s32 @!p0 $0xFFFFCC9C, s14  }
0x24: {  	s17 =	simm.s32 @!p0 $0x0;
	s15 =	sxor.u32 @!p0 $0xFFFFFFFF, s12;
	s16 =	sshll.u32 @!p0 s14, $0xD  }
0x25: {  	s15 =	sshll.u32 @!p0 s15, $0xE;
	p1 =	sgt.s32 @!p0 s14, $0x7;
	s14 =	ssub.s32 @!p0 $0x10000, s16  }
0x26: {  	p1 =	por !p1, p0;
	s16 =	sshll.u32 @!p0 s11, $0x8;
	s14 =	sshrl.u32 @!p0 s14, $0x2  }
0x27: {  	s15 =	sand.u32 @!p0 $0x4000, s15;
	s16 =	sadd.s32 @!p0 s2, s16;
	s14 =	simm.s32 @!p1 $0x0  }
0x28: {  	[tilespmem:s15], [sflag:$0x1] =	stream.linear.gather @!p0 [hbm4b:s16+s17], s14, $0x38;
	[tilespmem:$0x10000] =	vst v63  }
0x29: {  	p0 =	seq.s32 s12, $0x0  }
0x2a: {  	p1 =	sge.u32 @!p0 s12, s7  }
0x2b: {  	p0 =	por p0, p1  }
.Ltmp2:
0x2c: {  	_ = 	snop;
	(pc) =	sbr.rel @p0 .LBB1_10-.Ltmp2, $1  }
0x2d: {  	_ =	sdelay $0x3  }
0x2e: {  	p0 =	sgt.s32 s10, $0x3364;
	s14 =	smov.u32 s10;
	s15 =	sshra.s32 s10, $0x1F  }
0x2f: {  	s14 =	simm.s32 @!p0 $0x3364;
	s15 =	sand.u32 s15, s10  }
0x30: {  	s14 =	ssub.s32 s14, s15  }
0x31: {  	s16 =	sadd.s32 $0x8, s10;
	s14 =	sadd.s32 $0xFFFFCC9C, s14  }
0x32: {  	p1 =	slt.s32 s16, $0x336C;
	s30 =	sshll.u32 s14, $0xD  }
0x33: {  	s16 =	simm.s32 @!p1 $0x336C;
	s15 =	ssub.s32 $0x10000, s30  }
0x34: {  	p0 =	sgt.s32 s14, $0x7;
	s14 =	sshrl.u32 s15, $0x2;
	s15 =	ssub.s32 s16, s10  }
0x35: {  	s14 =	simm.s32 @p0 $0x0;
	p0 =	slt.s32 s15, $0x1  }
.Ltmp3:
0x36: {  	_ = 	snop;
	(pc) =	sbr.rel @p0 .LBB1_9-.Ltmp3, $4  }
0x37: {  	_ = 	snop  }
0x38: {  	_ =	swait.ge [sflag:s4], s14  }
0x39: {  	s31 =	ssub.s32 $0x0, s14;
	[sflag:s4] =	ssyncset.done $0x0  }
0x3a: {  	[sflag:s4] =	ssyncadd.s32 s31  }
0x3b: {  	s17 =	sand.u32 $0x4000, s9  }
0x3c: {  	s18 =	simm.s32 $0x0;
	s16 =	sor.u32 $0x40, s17;
	s17 =	sor.u32 $0x8040, s17  }
.LBB1_4:
0x3d: {  	s19 =	smov.u32 s17;
	s20 =	smov.u32 s16;
	s21 =	simm.s32 $0x0  }
.LBB1_5:
0x3e: {  	v0 =	vmov s19;
	v2 =	vld [tilespmem:s20+$0x30]  }
0x3f: {  	v4 =	vld [tilespmem:s20+$0xFFFFFFD0]  }
0x40: {  	v6 =	vld [tilespmem:s20+$0xFFFFFFE0]  }
0x41: {  	v7 =	vld [tilespmem:s20+$0xFFFFFFF0]  }
0x42: {  	s22 =	simm.s32 $0x0;
	v1 =	vld [tilespmem:s20+$0x0]  }
0x43: {  	v3 =	vld [tilespmem:s20+$0x10];
	[tilespmem:v0+s22+$0x30 ss:$0x1] =	vst.idx.msk $0xffff, v2  }
0x44: {  	v5 =	vld [tilespmem:s20+$0x20];
	[tilespmem:v0+s22+$0xFFFFFFD0 ss:$0x1] =	vst.idx.msk $0xffff, v4  }
0x45: {  	s23 =	sadd.s32 $0x80, s20;
	v2 =	vld [tilespmem:s20+$0xFFFFFFC0];
	[tilespmem:v0+s22+$0xFFFFFFE0 ss:$0x1] =	vst.idx.msk $0xffff, v6  }
0x46: {  	s24 =	simm.s32 $0x800;
	s25 =	simm.s32 $0x1000;
	v4 =	vld [tilespmem:s23+$0x30];
	[tilespmem:v0+s22+$0xFFFFFFF0 ss:$0x1] =	vst.idx.msk $0xffff, v7  }
.LBB1_6:
0x47: {  	p0 =	sne.s32 s25, $0x1800;
	v6 =	vld [tilespmem:s23+$0xFFFFFFD0];
	[tilespmem:v0+s22+$0x0 ss:$0x1] =	vst.idx.msk $0xffff, v1  }
0x48: {  	v7 =	vld [tilespmem:s23+$0xFFFFFFE0];
	[tilespmem:v0+s22+$0x10 ss:$0x1] =	vst.idx.msk $0xffff, v3  }
0x49: {  	v8 =	vld [tilespmem:s23+$0xFFFFFFF0];
	[tilespmem:v0+s22+$0x20 ss:$0x1] =	vst.idx.msk $0xffff, v5  }
.Ltmp4:
0x4a: {  	v1 =	vld [tilespmem:s23+$0x0];
	[tilespmem:v0+s22+$0xFFFFFFC0 ss:$0x1] =	vst.idx.msk $0xffff, v2;
	s22 =	sshra.s32 s24, $0x2;
	s24 =	smov.u32 s25;
	(pc) =	sbr.rel @p0 .LBB1_6-.Ltmp4, $4  }
0x4b: {  	v3 =	vld [tilespmem:s23+$0x10];
	[tilespmem:v0+s22+$0x30 ss:$0x1] =	vst.idx.msk $0xffff, v4  }
0x4c: {  	[tilespmem:v0+s22+$0xFFFFFFD0 ss:$0x1] =	vst.idx.msk $0xffff, v6;
	v5 =	vld [tilespmem:s23+$0x20]  }
0x4d: {  	v2 =	vld [tilespmem:s23+$0xFFFFFFC0];
	[tilespmem:v0+s22+$0xFFFFFFE0 ss:$0x1] =	vst.idx.msk $0xffff, v7;
	s23 =	sadd.s32 $0x80, s23  }
0x4e: {  	s25 =	sadd.s32 $0x800, s25;
	v4 =	vld [tilespmem:s23+$0x30];
	[tilespmem:v0+s22+$0xFFFFFFF0 ss:$0x1] =	vst.idx.msk $0xffff, v8  }
0x4f: {  	_ =	sdelay $0x3  }
0x50: {  	v6 =	vld [tilespmem:s23+$0xFFFFFFD0];
	[tilespmem:v0+s22+$0x0 ss:$0x1] =	vst.idx.msk $0xffff, v1  }
0x51: {  	v58 =	vld [tilespmem:s23+$0xFFFFFFE0];
	[tilespmem:v0+s22+$0x10 ss:$0x1] =	vst.idx.msk $0xffff, v3  }
0x52: {  	v59 =	vld [tilespmem:s23+$0xFFFFFFF0];
	[tilespmem:v0+s22+$0x20 ss:$0x1] =	vst.idx.msk $0xffff, v5  }
0x53: {  	s24 =	sshra.s32 s24, $0x2;
	v60 =	vld [tilespmem:s23+$0x0];
	[tilespmem:v0+s22+$0xFFFFFFC0 ss:$0x1] =	vst.idx.msk $0xffff, v2  }
0x54: {  	v61 =	vld [tilespmem:s23+$0x10];
	[tilespmem:v0+s24+$0x30 ss:$0x1] =	vst.idx.msk $0xffff, v4  }
0x55: {  	v62 =	vld [tilespmem:s23+$0x20];
	s21 =	sadd.s32 $0x1, s21;
	[tilespmem:v0+s24+$0xFFFFFFD0 ss:$0x1] =	vst.idx.msk $0xffff, v6  }
0x56: {  	v63 =	vld [tilespmem:s23+$0xFFFFFFC0];
	p0 =	sne.s32 s21, $0x4;
	[tilespmem:v0+s24+$0xFFFFFFE0 ss:$0x1] =	vst.idx.msk $0xffff, v58  }
.Ltmp5:
0x57: {  	[tilespmem:v0+s24+$0xFFFFFFF0 ss:$0x1] =	vst.idx.msk $0xffff, v59;
	(pc) =	sbr.rel @p0 .LBB1_5-.Ltmp5, $4  }
0x58: {  	[tilespmem:v0+s24+$0x0 ss:$0x1] =	vst.idx.msk $0xffff, v60  }
0x59: {  	[tilespmem:v0+s24+$0x10 ss:$0x1] =	vst.idx.msk $0xffff, v61  }
0x5a: {  	[tilespmem:v0+s24+$0x20 ss:$0x1] =	vst.idx.msk $0xffff, v62  }
0x5b: {  	s20 =	sadd.s32 $0x200, s20;
	s19 =	sadd.s32 $0x80, s19;
	[tilespmem:v0+s24+$0xFFFFFFC0 ss:$0x1] =	vst.idx.msk $0xffff, v63  }
0x5c: {  	s18 =	sadd.s32 $0x1, s18  }
0x5d: {  	p0 =	sne.s32 s18, s15  }
.Ltmp6:
0x5e: {  	_ = 	snop;
	(pc) =	sbr.rel @p0 .LBB1_4-.Ltmp6, $4  }
.Ltmp7:
0x5f: {  	_ = 	snop;
	(pc) =	sbr.rel @!p0 .LBB1_9-.Ltmp7, $4  }
0x60: {  	_ = 	snop  }
0x61: {  	_ = 	snop  }
0x62: {  	s16 =	sadd.s32 $0x800, s16;
	s17 =	sadd.s32 $0x800, s17  }
0x63: {  	_ = 	snop  }
.LBB1_11:
0x64: {  	_ =	sfence.sel $0x180000  }
0x65: {  	s2 =	simm.s32 $0x1;
	[bflag:$0x0] =	sbarrier.arrive $0xFFFF  }
0x66: {  	s31 =	simm.s32 $0x2;
	[sflag:s2] =	ssyncpa.u1 $0x1  }
0x67: {  	[sflag:s31] =	ssyncpa.u1 $0x1  }
0x68: {  	p0 =	sne.s32 s1, $0x0;
	_ =	strace $0x9000004A  }
0x69: {  	s0 =	sadd.s32 @!p0 $0x100000, s0;
	[bflag:$0x2] =	sbarrier.arrive $0xFFFF  }
0x6a: {  	[sflag:s0] =	ssyncadd.tile.s32 @!p0 $0x1;
	_ =	shalt  }
.Lfunc_end1:
_tile_overlayer_lowered:
.L_overlay_start_2:
0x6b: {  	(tag) =	ssettag $0x2  }
0x6c: {  	s0 =	rddreg [dreg:$0x0];
	s2 =	stileid.u32  }
0x6d: {  	s1 =	rddreg [dreg:$0x1];
	p0 =	sne.s32 s2, $0x0  }
0x6e: {  	s3 =	rddreg [dreg:$0x2];
	[bflag:$0x3] =	sbarrier.arrive $0xFFFF;
	s2 =	simm.s32 @!p0 $0x1C01  }
0x6f: {  	[timem:s3], [sflag:s2] =	dma.local @!p0 [hbm:s0], s1  }
0x70: {  	s0 =	simm.s32 @!p0 $0x1  }
0x71: {  	_ =	swait.ge @!p0 [sflag:s0], s1  }
0x72: {  	s1 =	ssub.s32 @!p0 $0x0, s1;
	[sflag:s0] =	ssyncset.done @!p0 $0x0  }
0x73: {  	[sflag:s0] =	ssyncadd.s32 @!p0 s1  }
0x74: {  	[bflag:$0x3] =	sbarrier.arrive $0xFFFF  }
0x75: {  	_ =	shalt  }

// kernel: sparse-core-data-format-call.2.cloned.1.call-start
scs
called_computation.2_lowered:
.L_overlay_start_0:
0x0: {  	s2 =	sld [smem:$0x3FD9]  }
0x1: {  	s3 =	sld [smem:$0x3FFE];
	_ =	sdelay $0x1  }
0x2: {  	s1 =	srdreg.scid  }
0x3: {  	s0 =	sand.u32 $0x1, s1  }
0x4: {  	s18 =	sshll.u32 s0, $0xA;
	s2 =	sadd.s32 s3, s2  }
0x5: {  	s2 =	sadd.s32 s2, s18  }
0x6: {  	[smem:$0x3FC4] =	sst s2  }
0x7: {  	_ = 	snop  }
0x8: {  	s2 =	sld [smem:$0x3FC7];
	(tm) =	ssettm $0x1  }
0x9: {  	s19 =	sld [smem:$0x3FFB];
	_ =	sdelay $0x3  }
0xa: {  	_ =	strace s19  }
0xb: {  	s3 =	sld [smem:$0x3FFC];
	_ =	sdelay $0x3  }
0xc: {  	_ =	strace s3  }
0xd: {  	s3 =	sld [smem:$0x3FFD];
	_ =	sdelay $0x3  }
0xe: {  	_ =	strace s3  }
0xf: {  	_ =	strace $0x8FFFFFFF  }
0x10: {  	s20 =	sld [smem:$0x3FDB];
	_ =	sdelay $0x1  }
0x11: {  	s4 =	simm.s32 $_scs_section_size  }
0x12: {  	s5 =	simm.s32 $_size__tile_overlayer_lowered;
	s6 =	simm.s32 $_tile_overlayer_lowered  }
0x13: {  	s23 =	simm.s32 $0x1BFF;
	s22 =	sshll.u32 s6, $0x1;
	s3 =	sadd.s32 s4, s20  }
0x14: {  	s7 =	simm.s32 $0x0;
	s21 =	sshll.u32 s5, $0x1;
	s5 =	sadd.s32 s22, s3  }
0x15: {  	[timem:s7], [sflag:s23] =	dma.local [hbm:s5], s21  }
0x16: {  	_ =	swait.ge [sflag:s23], s21  }
0x17: {  	s4 =	ssub.s32 $0x0, s21;
	[sflag:s23] =	ssyncset.done $0x0  }
0x18: {  	[sflag:s23] =	ssyncadd.s32 s4;
	_ =	sdelay $0x1  }
0x19: {  	s24 =	simm.s32 $0x1B8B  }
0x1a: {  	_ =	swait.ge [sflag:s24], $0x1  }
0x1b: {  	[sflag:s24] =	ssyncset.done $0x0  }
0x1c: {  	s26 =	simm.s32 $0x1B8E;
	s25 =	sld [smem:$0x3FFE];
	[sflag:s24] =	ssyncadd.s32 $0xFFFFFFFF  }
0x1d: {  	s27 =	simm.s32 $execute0_lowered;
	[smem:$0x3FD2] =	sst s26  }
0x1e: {  	s5 =	sshll.u32 s27, $0x1;
	_ =	strace $0x80000046;
	[dreg:$0x1] =	wrdreg $0xFFFFFFFF  }
0x1f: {  	s28 =	simm.s32 $_size_execute0_lowered;
	s3 =	sadd.s32 s3, s5;
	[dreg:$0x0] =	wrdreg $0x0  }
0x20: {  	s5 =	sshll.u32 s28, $0x1;
	[dreg:$0x2] =	wrdreg s3  }
0x21: {  	[dreg:$0x3] =	wrdreg s5  }
0x22: {  	[dreg:$0x4] =	wrdreg $0xC0  }
0x23: {  	_ =	task [dreg:s7], $0x5FFFF  }
0x24: {  	[dreg:$0x1] =	wrdreg $0xFFFFFFFF  }
0x25: {  	[dreg:$0x0] =	wrdreg $0x60  }
0x26: {  	[dreg:$0x2] =	wrdreg s2  }
0x27: {  	[dreg:$0x3] =	wrdreg s25  }
0x28: {  	[dreg:$0x4] =	wrdreg $0xA  }
0x29: {  	_ =	task.clear_ibuf [dreg:s7], $0x5FFFF;
	_ =	strace $0x90000046  }
0x2a: {  	s29 =	simm.s32 $0xA;
	_ =	strace $0x80000048  }
0x2b: {  	_ =	swait.ge [sflag:s29], $0x1  }
0x2c: {  	[sflag:s29] =	ssyncadd.s32 $0xFFFFFFFF  }
0x2d: {  	_ =	strace $0x90000048  }
0x2e: {  	_ =	sfence  }
0x2f: {  	s30 =	sld [smem:$0x0];
	_ =	sdelay $0x2  }
0x30: {  	s31 =	sshll.u32 s1, $0xD;
	s1 =	sshrl.u32 s1, $0x2  }
0x31: {  	s3 =	sand.u32 $0x4000, s31;
	s1 =	sadd.s32 s1, s30  }
0x32: {  	s0 =	sor.u32 s3, s0;
	s1 =	sshll.u32 s1, $0x11  }
0x33: {  	s0 =	sor.u32 s1, s0  }
0x34: {  	s0 =	sadd.s32 $0x8F2B, s0  }
0x35: {  	[sflag:s0] =	ssyncadd.remote.s32 $0x1  }
0x36: {  	_ =	sfence.sel $0xFFFF  }
0x37: {  	[dreg:$0x0] =	wrdreg $0xFFFFFFFF;
	(pc) =	sbr.abs _section_cstart, $3  }
0x38: {  	[dreg:$0x1] =	wrdreg $0xFFFFFFFF  }
0x39: {  	_ =	task.clear_ibuf [dreg:s7], $0x2FFFF;
	_ =	strace $0x9FFFFFFF  }
0x3a: {  	(tm) =	ssettm $0x7FFFFFFF  }
0x3b: {  	_ =	shalt  }
tec
execute0_lowered:
.L_overlay_start_1:
0x0: {  	(tag) =	ssettag $0x1  }
0x1: {  	s0 =	srdreg.scid  }
0x2: {  	s1 =	sshll.u32 s0, $0x4  }
0x3: {  	s2 =	rddreg [dreg:$0x0];
	s0 =	stileid.u32;
	s1 =	sand.u32 $0x10, s1  }
0x4: {  	s4 =	rddreg [dreg:$0x1];
	s7 =	simm.s32 $0x1;
	s1 =	sor.u32 s0, s1  }
0x5: {  	s8 =	simm.s32 $0x2;
	s9 =	simm.s32 $0x0;
	s3 =	sshll.u32 s1, $0x2  }
0x6: {  	s12 =	simm.s32 $0x0;
	s11 =	simm.s32 $0x0;
	s6 =	ssub.s32 $0x1820, s3  }
.Ltmp0:
0x7: {  	s4 =	sadd.s32 $0x1800, s4;
	s5 =	sand.u32 $0x7C, s6;
	(pc) =	sbr.rel .LBB1_1-.Ltmp0, $4  }
0x8: {  	s1 =	rddreg [dreg:$0x2];
	_ =	strace $0x80000047;
	p0 =	sne.s32 s5, $0x0  }
0x9: {  	s6 =	sshrl.u32 s6, $0x7;
	s5 =	simm.s32 $0x1;
	s7 =	simm.s32 @!p0 $0x0  }
0xa: {  	s10 =	smov.u32 s3;
	[sflag:s5] =	ssyncpa.u1 $0x0;
	s6 =	sadd.s32 s7, s6  }
0xb: {  	[sflag:s8] =	ssyncpa.u1 $0x0;
	s8 =	simm.s32 $0x0;
	s7 =	sadd.s32 $0x1, s6  }
.LBB1_9:
0xc: {  	s14 =	sadd.s32 $0x80, s10  }
0xd: {  	p1 =	sgt.s32 s14, $0x181F  }
0xe: {  	s14 =	smov.u32 @p1 s3;
	p1 =	sne.s32 s11, s7  }
.Ltmp1:
0xf: {  	p0 =	slt.u32 s11, $0x2;
	(pc) =	sbr.rel @!p1 .LBB1_10-.Ltmp1, $4  }
0x10: {  	s13 =	simm.s32 @!p0 $0x2  }
0x11: {  	s15 =	sadd.s32 $0x1, s11;
	_ =	swait.ge @!p0 [sflag:s13], $0x4000  }
0x12: {  	s12 =	smov.u32 s10;
	s9 =	sadd.s32 $0x4000, s9;
	[sflag:s13] =	ssyncset.done @!p0 $0x0  }
0x13: {  	s11 =	smov.u32 s15;
	s10 =	smov.u32 s14;
	[sflag:s13] =	ssyncadd.s32 @!p0 $0xFFFFC000  }
.LBB1_1:
0x14: {  	p0 =	sge.u32 s11, s6  }
0x15: {  	s13 =	sxor.u32 @!p0 $0xFFFFFFFF, s11  }
0x16: {  	s31 =	sadd.s32 $0xFFFFFFFF, s11;
	s14 =	sshll.u32 @!p0 s10, $0x9;
	s13 =	sshll.u32 @!p0 s13, $0xE  }
0x17: {  	s15 =	simm.s32 @!p0 $0x0;
	s14 =	sadd.s32 @!p0 s2, s14;
	s13 =	sand.u32 @!p0 $0x4000, s13  }
0x18: {  	[tilespmem:s13], [sflag:$0x1] =	stream.linear.gather @!p0 [hbm4b:s14+s15], $0x4000, $0x38;
	[tilespmem:$0x10000] =	vst v63  }
0x19: {  	p0 =	sge.u32 s31, s6  }
.Ltmp2:
0x1a: {  	_ = 	snop;
	(pc) =	sbr.rel @p0 .LBB1_9-.Ltmp2, $1  }
0x1b: {  	_ =	sdelay $0x3  }
0x1c: {  	s14 =	sand.u32 $0x4000, s9  }
0x1d: {  	_ =	swait.ge [sflag:s5], $0x4000;
	s15 =	sshll.u32 s11, $0xE;
	s16 =	simm.s32 $0x0  }
0x1e: {  	s13 =	sor.u32 $0x40, s14;
	[sflag:s5] =	ssyncset.done $0x0;
	s15 =	sand.u32 $0x4000, s15  }
0x1f: {  	s14 =	sor.u32 $0x8040, s14;
	[sflag:s5] =	ssyncadd.s32 $0xFFFFC000;
	s15 =	sor.u32 $0x8000, s15  }
.LBB1_3:
0x20: {  	s17 =	smov.u32 s14;
	s18 =	smov.u32 s13;
	s19 =	simm.s32 $0x0  }
.LBB1_4:
0x21: {  	v0 =	vmov s17;
	v2 =	vld [tilespmem:s18+$0x30]  }
0x22: {  	v4 =	vld [tilespmem:s18+$0xFFFFFFD0]  }
0x23: {  	v6 =	vld [tilespmem:s18+$0xFFFFFFE0]  }
0x24: {  	v7 =	vld [tilespmem:s18+$0xFFFFFFF0]  }
0x25: {  	s20 =	simm.s32 $0x0;
	v1 =	vld [tilespmem:s18+$0x0]  }
0x26: {  	v3 =	vld [tilespmem:s18+$0x10];
	[tilespmem:v0+s20+$0x30 ss:$0x1] =	vst.idx.msk $0xffff, v2  }
0x27: {  	v5 =	vld [tilespmem:s18+$0x20];
	[tilespmem:v0+s20+$0xFFFFFFD0 ss:$0x1] =	vst.idx.msk $0xffff, v4  }
0x28: {  	s21 =	sadd.s32 $0x80, s18;
	v2 =	vld [tilespmem:s18+$0xFFFFFFC0];
	[tilespmem:v0+s20+$0xFFFFFFE0 ss:$0x1] =	vst.idx.msk $0xffff, v6  }
0x29: {  	s22 =	simm.s32 $0x800;
	s23 =	simm.s32 $0x1000;
	v4 =	vld [tilespmem:s21+$0x30];
	[tilespmem:v0+s20+$0xFFFFFFF0 ss:$0x1] =	vst.idx.msk $0xffff, v7  }
.LBB1_5:
0x2a: {  	p0 =	sne.s32 s23, $0x3800;
	v6 =	vld [tilespmem:s21+$0xFFFFFFD0];
	[tilespmem:v0+s20+$0x0 ss:$0x1] =	vst.idx.msk $0xffff, v1  }
0x2b: {  	v7 =	vld [tilespmem:s21+$0xFFFFFFE0];
	[tilespmem:v0+s20+$0x10 ss:$0x1] =	vst.idx.msk $0xffff, v3  }
0x2c: {  	v8 =	vld [tilespmem:s21+$0xFFFFFFF0];
	[tilespmem:v0+s20+$0x20 ss:$0x1] =	vst.idx.msk $0xffff, v5  }
.Ltmp3:
0x2d: {  	v1 =	vld [tilespmem:s21+$0x0];
	[tilespmem:v0+s20+$0xFFFFFFC0 ss:$0x1] =	vst.idx.msk $0xffff, v2;
	s20 =	sshra.s32 s22, $0x2;
	s22 =	smov.u32 s23;
	(pc) =	sbr.rel @p0 .LBB1_5-.Ltmp3, $4  }
0x2e: {  	v3 =	vld [tilespmem:s21+$0x10];
	[tilespmem:v0+s20+$0x30 ss:$0x1] =	vst.idx.msk $0xffff, v4  }
0x2f: {  	[tilespmem:v0+s20+$0xFFFFFFD0 ss:$0x1] =	vst.idx.msk $0xffff, v6;
	v5 =	vld [tilespmem:s21+$0x20]  }
0x30: {  	v2 =	vld [tilespmem:s21+$0xFFFFFFC0];
	[tilespmem:v0+s20+$0xFFFFFFE0 ss:$0x1] =	vst.idx.msk $0xffff, v7;
	s21 =	sadd.s32 $0x80, s21  }
0x31: {  	s23 =	sadd.s32 $0x800, s23;
	v4 =	vld [tilespmem:s21+$0x30];
	[tilespmem:v0+s20+$0xFFFFFFF0 ss:$0x1] =	vst.idx.msk $0xffff, v8  }
0x32: {  	_ =	sdelay $0x3  }
0x33: {  	v6 =	vld [tilespmem:s21+$0xFFFFFFD0];
	[tilespmem:v0+s20+$0x0 ss:$0x1] =	vst.idx.msk $0xffff, v1  }
0x34: {  	v58 =	vld [tilespmem:s21+$0xFFFFFFE0];
	[tilespmem:v0+s20+$0x10 ss:$0x1] =	vst.idx.msk $0xffff, v3  }
0x35: {  	v59 =	vld [tilespmem:s21+$0xFFFFFFF0];
	[tilespmem:v0+s20+$0x20 ss:$0x1] =	vst.idx.msk $0xffff, v5  }
0x36: {  	s22 =	sshra.s32 s22, $0x2;
	v60 =	vld [tilespmem:s21+$0x0];
	[tilespmem:v0+s20+$0xFFFFFFC0 ss:$0x1] =	vst.idx.msk $0xffff, v2  }
0x37: {  	v61 =	vld [tilespmem:s21+$0x10];
	[tilespmem:v0+s22+$0x30 ss:$0x1] =	vst.idx.msk $0xffff, v4  }
0x38: {  	v62 =	vld [tilespmem:s21+$0x20];
	s19 =	sadd.s32 $0x1, s19;
	[tilespmem:v0+s22+$0xFFFFFFD0 ss:$0x1] =	vst.idx.msk $0xffff, v6  }
0x39: {  	v63 =	vld [tilespmem:s21+$0xFFFFFFC0];
	p0 =	sne.s32 s19, $0x4;
	[tilespmem:v0+s22+$0xFFFFFFE0 ss:$0x1] =	vst.idx.msk $0xffff, v58  }
.Ltmp4:
0x3a: {  	[tilespmem:v0+s22+$0xFFFFFFF0 ss:$0x1] =	vst.idx.msk $0xffff, v59;
	(pc) =	sbr.rel @p0 .LBB1_4-.Ltmp4, $4  }
0x3b: {  	[tilespmem:v0+s22+$0x0 ss:$0x1] =	vst.idx.msk $0xffff, v60  }
0x3c: {  	[tilespmem:v0+s22+$0x10 ss:$0x1] =	vst.idx.msk $0xffff, v61  }
0x3d: {  	[tilespmem:v0+s22+$0x20 ss:$0x1] =	vst.idx.msk $0xffff, v62  }
0x3e: {  	s18 =	sadd.s32 $0x400, s18;
	s17 =	sadd.s32 $0x80, s17;
	[tilespmem:v0+s22+$0xFFFFFFC0 ss:$0x1] =	vst.idx.msk $0xffff, v63  }
0x3f: {  	s16 =	sadd.s32 $0x1, s16  }
0x40: {  	p0 =	sne.s32 s16, $0x4  }
.Ltmp5:
0x41: {  	_ = 	snop;
	(pc) =	sbr.rel @p0 .LBB1_3-.Ltmp5, $2  }
0x42: {  	_ =	sdelay $0x2  }
0x43: {  	s13 =	sadd.s32 $0x1000, s13;
	s14 =	sadd.s32 $0x1000, s14  }
.Ltmp6:
0x44: {  	(pc) =	sbr.rel .LBB1_9-.Ltmp6, $4  }
0x45: {  	_ = 	snop  }
0x46: {  	s12 =	sshll.u32 s12, $0x9  }
0x47: {  	s12 =	sadd.s32 s4, s12  }
0x48: {  	[hbm4b:s12+s8] =	stream.linear.scatter [tilespmem:s15], [sflag:$0x2], $0x4000, $0x38;
	[tilespmem:$0x10000] =	vst v63  }
.LBB1_10:
0x49: {  	_ =	sfence.sel $0x180000  }
0x4a: {  	s2 =	simm.s32 $0x1;
	[bflag:$0x0] =	sbarrier.arrive $0xFFFF  }
0x4b: {  	s31 =	simm.s32 $0x2;
	[sflag:s2] =	ssyncpa.u1 $0x1  }
0x4c: {  	[sflag:s31] =	ssyncpa.u1 $0x1  }
0x4d: {  	p0 =	sne.s32 s0, $0x0;
	_ =	strace $0x90000047  }
0x4e: {  	s0 =	sadd.s32 @!p0 $0x100000, s1;
	[bflag:$0x2] =	sbarrier.arrive $0xFFFF  }
0x4f: {  	[sflag:s0] =	ssyncadd.tile.s32 @!p0 $0x1;
	_ =	shalt  }
.Lfunc_end1:
_tile_overlayer_lowered:
.L_overlay_start_2:
0x50: {  	(tag) =	ssettag $0x2  }
0x51: {  	s0 =	rddreg [dreg:$0x0];
	s2 =	stileid.u32  }
0x52: {  	s1 =	rddreg [dreg:$0x1];
	p0 =	sne.s32 s2, $0x0  }
0x53: {  	s3 =	rddreg [dreg:$0x2];
	[bflag:$0x3] =	sbarrier.arrive $0xFFFF;
	s2 =	simm.s32 @!p0 $0x1C01  }
0x54: {  	[timem:s3], [sflag:s2] =	dma.local @!p0 [hbm:s0], s1  }
0x55: {  	s0 =	simm.s32 @!p0 $0x1  }
0x56: {  	_ =	swait.ge @!p0 [sflag:s0], s1  }
0x57: {  	s1 =	ssub.s32 @!p0 $0x0, s1;
	[sflag:s0] =	ssyncset.done @!p0 $0x0  }
0x58: {  	[sflag:s0] =	ssyncadd.s32 @!p0 s1  }
0x59: {  	[bflag:$0x3] =	sbarrier.arrive $0xFFFF  }
0x5a: {  	_ =	shalt  }

// kernel: sparse-core-data-format-call.cloned.1.call-start
scs
called_computation_lowered:
.L_overlay_start_0:
0x0: {  	s2 =	sld [smem:$0x3FD9]  }
0x1: {  	s3 =	sld [smem:$0x3FFE];
	_ =	sdelay $0x1  }
0x2: {  	s1 =	srdreg.scid  }
0x3: {  	s0 =	sand.u32 $0x1, s1  }
0x4: {  	s18 =	sshll.u32 s0, $0xA;
	s2 =	sadd.s32 s3, s2  }
0x5: {  	s2 =	sadd.s32 s2, s18  }
0x6: {  	[smem:$0x3FC4] =	sst s2  }
0x7: {  	_ = 	snop  }
0x8: {  	s2 =	sld [smem:$0x3FD0];
	(tm) =	ssettm $0x1  }
0x9: {  	s19 =	sld [smem:$0x3FFB];
	_ =	sdelay $0x3  }
0xa: {  	_ =	strace s19  }
0xb: {  	s3 =	sld [smem:$0x3FFC];
	_ =	sdelay $0x3  }
0xc: {  	_ =	strace s3  }
0xd: {  	s3 =	sld [smem:$0x3FFD];
	_ =	sdelay $0x3  }
0xe: {  	_ =	strace s3  }
0xf: {  	_ =	strace $0x8FFFFFFF  }
0x10: {  	s20 =	sld [smem:$0x3FDB];
	_ =	sdelay $0x1  }
0x11: {  	s4 =	simm.s32 $_scs_section_size  }
0x12: {  	s5 =	simm.s32 $_size__tile_overlayer_lowered;
	s6 =	simm.s32 $_tile_overlayer_lowered  }
0x13: {  	s23 =	simm.s32 $0x1BFF;
	s22 =	sshll.u32 s6, $0x1;
	s3 =	sadd.s32 s4, s20  }
0x14: {  	s7 =	simm.s32 $0x0;
	s21 =	sshll.u32 s5, $0x1;
	s5 =	sadd.s32 s22, s3  }
0x15: {  	[timem:s7], [sflag:s23] =	dma.local [hbm:s5], s21  }
0x16: {  	_ =	swait.ge [sflag:s23], s21  }
0x17: {  	s4 =	ssub.s32 $0x0, s21;
	[sflag:s23] =	ssyncset.done $0x0  }
0x18: {  	[sflag:s23] =	ssyncadd.s32 s4;
	_ =	sdelay $0x1  }
0x19: {  	s24 =	simm.s32 $0x1B8B  }
0x1a: {  	_ =	swait.ge [sflag:s24], $0x1  }
0x1b: {  	[sflag:s24] =	ssyncset.done $0x0  }
0x1c: {  	s26 =	simm.s32 $0x1B8E;
	s25 =	sld [smem:$0x3FFE];
	[sflag:s24] =	ssyncadd.s32 $0xFFFFFFFF  }
0x1d: {  	s27 =	simm.s32 $execute0_lowered;
	[smem:$0x3FD2] =	sst s26  }
0x1e: {  	s5 =	sshll.u32 s27, $0x1;
	_ =	strace $0x8000004F;
	[dreg:$0x1] =	wrdreg $0xFFFFFFFF  }
0x1f: {  	s28 =	simm.s32 $_size_execute0_lowered;
	s3 =	sadd.s32 s3, s5;
	[dreg:$0x0] =	wrdreg $0x0  }
0x20: {  	s5 =	sshll.u32 s28, $0x1;
	[dreg:$0x2] =	wrdreg s3  }
0x21: {  	[dreg:$0x3] =	wrdreg s5  }
0x22: {  	[dreg:$0x4] =	wrdreg $0xC0  }
0x23: {  	_ =	task [dreg:s7], $0x5FFFF  }
0x24: {  	[dreg:$0x1] =	wrdreg $0xFFFFFFFF  }
0x25: {  	[dreg:$0x0] =	wrdreg $0x60  }
0x26: {  	[dreg:$0x2] =	wrdreg s25  }
0x27: {  	[dreg:$0x3] =	wrdreg s2  }
0x28: {  	[dreg:$0x4] =	wrdreg $0x9  }
0x29: {  	_ =	task.clear_ibuf [dreg:s7], $0x5FFFF;
	_ =	strace $0x9000004F  }
0x2a: {  	s29 =	simm.s32 $0x9;
	_ =	strace $0x80000051  }
0x2b: {  	_ =	swait.ge [sflag:s29], $0x1  }
0x2c: {  	[sflag:s29] =	ssyncadd.s32 $0xFFFFFFFF  }
0x2d: {  	_ =	strace $0x90000051  }
0x2e: {  	_ =	sfence  }
0x2f: {  	s30 =	sld [smem:$0x0];
	_ =	sdelay $0x2  }
0x30: {  	s31 =	sshll.u32 s1, $0xD;
	s1 =	sshrl.u32 s1, $0x2  }
0x31: {  	s3 =	sand.u32 $0x4000, s31;
	s1 =	sadd.s32 s1, s30  }
0x32: {  	s0 =	sor.u32 s3, s0;
	s1 =	sshll.u32 s1, $0x11  }
0x33: {  	s0 =	sor.u32 s1, s0  }
0x34: {  	s0 =	sadd.s32 $0x8F2B, s0  }
0x35: {  	[sflag:s0] =	ssyncadd.remote.s32 $0x1  }
0x36: {  	_ =	sfence.sel $0xFFFF  }
0x37: {  	[dreg:$0x0] =	wrdreg $0xFFFFFFFF;
	(pc) =	sbr.abs _section_cstart, $3  }
0x38: {  	[dreg:$0x1] =	wrdreg $0xFFFFFFFF  }
0x39: {  	_ =	task.clear_ibuf [dreg:s7], $0x2FFFF;
	_ =	strace $0x9FFFFFFF  }
0x3a: {  	(tm) =	ssettm $0x7FFFFFFF  }
0x3b: {  	_ =	shalt  }
tec
execute0_lowered:
.L_overlay_start_1:
0x0: {  	(tag) =	ssettag $0x1  }
0x1: {  	s0 =	srdreg.scid  }
0x2: {  	s1 =	sshll.u32 s0, $0x4  }
0x3: {  	s6 =	rddreg [dreg:$0x0];
	s0 =	stileid.u32;
	s1 =	sand.u32 $0x10, s1  }
0x4: {  	s3 =	rddreg [dreg:$0x1];
	s1 =	sor.u32 s0, s1  }
0x5: {  	s5 =	simm.s32 $0x1;
	s31 =	simm.s32 $0x2;
	s2 =	sshll.u32 s1, $0x7  }
0x6: {  	s14 =	simm.s32 $0x0;
	s8 =	simm.s32 $0x1000;
	s4 =	ssub.s32 $0x1000, s2  }
0x7: {  	s9 =	simm.s32 $0x0;
	s15 =	simm.s32 $0x0;
	s30 =	sand.u32 $0xF80, s4  }
0x8: {  	s16 =	simm.s32 $0x0;
	s10 =	simm.s32 $0x0;
	p0 =	sne.s32 s30, $0x0  }
.Ltmp0:
0x9: {  	s7 =	sshrl.u32 s4, $0xC;
	s5 =	simm.s32 @!p0 $0x0;
	(pc) =	sbr.rel .LBB1_1-.Ltmp0, $4  }
0xa: {  	s11 =	simm.s32 $0x0;
	s1 =	rddreg [dreg:$0x2];
	s5 =	sadd.s32 s5, s7  }
0xb: {  	_ =	strace $0x80000050;
	s4 =	simm.s32 $0x1;
	s5 =	smul.u32 $0x134, s5  }
0xc: {  	s13 =	simm.s32 $0x0;
	s6 =	sadd.s32 $0x1800, s6;
	[sflag:s4] =	ssyncpa.u1 $0x0  }
0xd: {  	s12 =	smov.u32 s2;
	[sflag:s31] =	ssyncpa.u1 $0x0;
	s7 =	sor.u32 $0x1, s5  }
.LBB1_4:
0xe: {  	_ =	sdelay $0x3  }
0xf: {  	[tilespmem:v0+s19+$0xFFFFFFD0 ss:$0x1] =	vst.idx.msk $0xffff, v6  }
0x10: {  	v56 =	vld.idx.msk [tilespmem:v1+s18+$0x0 ss:$0x1], $0xffff;
	[tilespmem:v0+s19+$0xFFFFFFE0 ss:$0x1] =	vst.idx.msk $0xffff, v4  }
0x11: {  	v57 =	vld.idx.msk [tilespmem:v1+s18+$0xFFFFFF90 ss:$0x1], $0xffff;
	[tilespmem:v0+s19+$0xFFFFFFF0 ss:$0x1] =	vst.idx.msk $0xffff, v2  }
0x12: {  	v58 =	vld.idx.msk [tilespmem:v1+s18+$0xFFFFFFA0 ss:$0x1], $0xffff;
	[tilespmem:v0+s19+$0x0 ss:$0x1] =	vst.idx.msk $0xffff, v3  }
0x13: {  	v59 =	vld.idx.msk [tilespmem:v1+s18+$0xFFFFFFB0 ss:$0x1], $0xffff;
	[tilespmem:v0+s19+$0x10 ss:$0x1] =	vst.idx.msk $0xffff, v5  }
0x14: {  	v60 =	vld.idx.msk [tilespmem:v1+s18+$0xFFFFFFC0 ss:$0x1], $0xffff;
	[tilespmem:v0+s19+$0x20 ss:$0x1] =	vst.idx.msk $0xffff, v7  }
0x15: {  	v61 =	vld.idx.msk [tilespmem:v1+s18+$0xFFFFFFD0 ss:$0x1], $0xffff;
	s27 =	sshll.u32 s16, $0x9;
	[tilespmem:v0+s18+$0x30 ss:$0x1] =	vst.idx.msk $0xffff, v56  }
0x16: {  	s20 =	sshll.u32 s14, $0x3;
	v62 =	vld.idx.msk [tilespmem:v1+s18+$0xFFFFFFE0 ss:$0x1], $0xffff;
	s28 =	sshll.u32 s16, $0x7;
	s30 =	sand.u32 $0x78, s14;
	[tilespmem:v0+s18+$0xFFFFFFC0 ss:$0x1] =	vst.idx.msk $0xffff, v57  }
0x17: {  	v63 =	vld.idx.msk [tilespmem:v1+s18+$0xFFFFFFF0 ss:$0x1], $0xffff;
	s15 =	sshll.u32 s15, $0x12;
	s19 =	sand.u32 $0x1FF000, s27;
	s20 =	sand.u32 $0x1FFC00, s20;
	[tilespmem:v0+s18+$0xFFFFFFD0 ss:$0x1] =	vst.idx.msk $0xffff, v58  }
0x18: {  	s29 =	sand.u32 $0x200, s28;
	s16 =	sand.u32 $0x180, s28;
	s19 =	sadd.s32 s19, s20;
	[tilespmem:v0+s18+$0xFFFFFFE0 ss:$0x1] =	vst.idx.msk $0xffff, v59  }
0x19: {  	s31 =	sand.u32 $0x7, s14;
	s16 =	sor.u32 s16, s30;
	s19 =	sor.u32 s29, s19;
	[tilespmem:v0+s18+$0xFFFFFFF0 ss:$0x1] =	vst.idx.msk $0xffff, v60  }
0x1a: {  	s15 =	sadd.s32 s3, s15;
	s16 =	sshrl.u32 s16, $0x3;
	s19 =	sshrl.u32 s19, $0x3;
	[tilespmem:v0+s18+$0x0 ss:$0x1] =	vst.idx.msk $0xffff, v61  }
0x1b: {  	s14 =	sshll.u32 s31, $0x12;
	s15 =	sadd.s32 s16, s15;
	[tilespmem:v0+s18+$0x10 ss:$0x1] =	vst.idx.msk $0xffff, v62;
	s19 =	sand.u32 $0x3FFC0, s19  }
0x1c: {  	s14 =	sor.u32 $0x400, s14;
	[tilespmem:v0+s18+$0x20 ss:$0x1] =	vst.idx.msk $0xffff, v63;
	s15 =	sadd.s32 s19, s15  }
0x1d: {  	[hbm4b:s15+s14] =	stream.strided.scatter [tilespmem:s17], [sflag:$0x2], $0x4000, s8, s14, $0x38;
	[tilespmem:$0x10000] =	vst v63  }
.LBB1_5:
0x1e: {  	s17 =	sadd.s32 $0x80, s10  }
0x1f: {  	s14 =	simm.s32 $0x1;
	p1 =	sgt.s32 s17, $0x1FF  }
0x20: {  	s14 =	simm.s32 @!p1 $0x0  }
0x21: {  	s18 =	sadd.s32 s14, s11  }
0x22: {  	s20 =	smov.u32 s12;
	s14 =	sadd.s32 $0x1000, s12;
	p2 =	sgt.s32 s18, $0x4C  }
0x23: {  	s20 =	smov.u32 @p2 s14  }
0x24: {  	p0 =	slt.u32 s13, $0x2;
	s17 =	simm.s32 @p1 $0x0;
	p1 =	sgt.s32 s20, $0xFFF  }
0x25: {  	s19 =	simm.s32 @!p0 $0x2;
	s20 =	smov.u32 @p1 s2;
	p1 =	sne.s32 s13, s7  }
.Ltmp1:
0x26: {  	_ =	swait.ge @!p0 [sflag:s19], $0x4000;
	(pc) =	sbr.rel @!p1 .LBB1_6-.Ltmp1, $4  }
0x27: {  	s15 =	smov.u32 s11;
	[sflag:s19] =	ssyncset.done @!p0 $0x0  }
0x28: {  	s16 =	smov.u32 s12;
	s9 =	sadd.s32 $0x4000, s9;
	[sflag:s19] =	ssyncadd.s32 @!p0 $0xFFFFC000  }
0x29: {  	s18 =	simm.s32 @p2 $0x0;
	s14 =	smov.u32 s10;
	s10 =	smov.u32 s17  }
0x2a: {  	s11 =	smov.u32 s18;
	s13 =	sadd.s32 $0x1, s13;
	s12 =	smov.u32 s20  }
.LBB1_1:
0x2b: {  	p0 =	sge.u32 s13, s5  }
0x2c: {  	s17 =	sshll.u32 @!p0 s11, $0x9;
	s18 =	sshll.u32 @!p0 s10, $0x3  }
0x2d: {  	s19 =	sshll.u32 @!p0 s11, $0x7;
	s17 =	sand.u32 @!p0 $0xFFFFF000, s17;
	s18 =	sand.u32 @!p0 $0xFFFFFC00, s18  }
0x2e: {  	s17 =	sadd.s32 @!p0 s17, s18;
	s18 =	sand.u32 @!p0 $0x200, s19  }
0x2f: {  	s17 =	sor.u32 @!p0 s18, s17  }
0x30: {  	s17 =	sshrl.u32 @!p0 s17, $0x9  }
0x31: {  	s31 =	sadd.s32 $0xFFFFFFFF, s13;
	s18 =	smulhi.u32 @!p0 $0x3333334, s17  }
0x32: {  	s20 =	sxor.u32 @!p0 $0xFFFFFFFF, s13;
	s21 =	sand.u32 @!p0 $0x78, s10;
	s22 =	smul.u32 @!p0 $0x1400, s12  }
0x33: {  	s20 =	sshll.u32 @!p0 s20, $0xE;
	s19 =	sand.u32 @!p0 $0x180, s19;
	s18 =	smul.u32 @!p0 $0x50, s18  }
0x34: {  	s20 =	sand.u32 @!p0 $0x4000, s20;
	s19 =	sor.u32 @!p0 s21, s19;
	s21 =	sand.u32 @!p0 $0x7, s10  }
0x35: {  	s17 =	ssub.s32 @!p0 s17, s18;
	s18 =	sshrl.u32 @!p0 s19, $0x3;
	s19 =	sadd.s32 @!p0 s6, s22  }
0x36: {  	s17 =	sshll.u32 @!p0 s17, $0x6;
	s18 =	sadd.s32 @!p0 s18, s19;
	s19 =	sshll.u32 @!p0 s21, $0x12  }
0x37: {  	s17 =	sadd.s32 @!p0 s17, s18;
	s18 =	sor.u32 @!p0 $0x80, s19;
	s19 =	simm.s32 @!p0 $0xA000  }
0x38: {  	[tilespmem:s20], [sflag:$0x1] =	stream.strided.gather @!p0 [hbm4b:s17+s18], $0x4000, s19, s18, $0x38;
	[tilespmem:$0x10000] =	vst v63  }
0x39: {  	p0 =	sge.u32 s31, s5  }
.Ltmp2:
0x3a: {  	_ = 	snop;
	(pc) =	sbr.rel @p0 .LBB1_5-.Ltmp2, $1  }
0x3b: {  	_ =	sdelay $0x3  }
0x3c: {  	s17 =	sand.u32 $0x4000, s9  }
0x3d: {  	s18 =	sor.u32 $0x70, s17  }
0x3e: {  	v1 =	vmov s18;
	_ =	sdelay $0x1  }
0x3f: {  	_ =	swait.ge [sflag:s4], $0x4000  }
0x40: {  	[sflag:s4] =	ssyncset.done $0x0  }
0x41: {  	s19 =	simm.s32 $0x0;
	[sflag:s4] =	ssyncadd.s32 $0xFFFFC000  }
0x42: {  	s17 =	sor.u32 $0x8040, s17;
	v7 =	vld.idx.msk [tilespmem:v1+s19+$0x0 ss:$0x1], $0xffff  }
0x43: {  	v0 =	vmov s17;
	v8 =	vld.idx.msk [tilespmem:v1+s19+$0xFFFFFF90 ss:$0x1], $0xffff  }
0x44: {  	v6 =	vld.idx.msk [tilespmem:v1+s19+$0xFFFFFFA0 ss:$0x1], $0xffff  }
0x45: {  	v4 =	vld.idx.msk [tilespmem:v1+s19+$0xFFFFFFB0 ss:$0x1], $0xffff  }
0x46: {  	v2 =	vld.idx.msk [tilespmem:v1+s19+$0xFFFFFFC0 ss:$0x1], $0xffff  }
0x47: {  	s31 =	sshll.u32 s13, $0xE;
	v3 =	vld.idx.msk [tilespmem:v1+s19+$0xFFFFFFD0 ss:$0x1], $0xffff  }
0x48: {  	s17 =	sand.u32 $0x4000, s31;
	v5 =	vld.idx.msk [tilespmem:v1+s19+$0xFFFFFFE0 ss:$0x1], $0xffff;
	[tilespmem:v0+s19+$0x30 ss:$0x1] =	vst.idx.msk $0xffff, v7  }
0x49: {  	s20 =	simm.s32 $0x400;
	s18 =	simm.s32 $0x80;
	s17 =	sor.u32 $0x8000, s17;
	[tilespmem:v0+s19+$0xFFFFFFC0 ss:$0x1] =	vst.idx.msk $0xffff, v8;
	v7 =	vld.idx.msk [tilespmem:v1+s19+$0xFFFFFFF0 ss:$0x1], $0xffff  }
.LBB1_3:
0x4a: {  	p0 =	sne.s32 s20, $0xFE00;
	v8 =	vld.idx.msk [tilespmem:v1+s18+$0x0 ss:$0x1], $0xffff;
	[tilespmem:v0+s19+$0xFFFFFFD0 ss:$0x1] =	vst.idx.msk $0xffff, v6  }
0x4b: {  	v9 =	vld.idx.msk [tilespmem:v1+s18+$0xFFFFFF90 ss:$0x1], $0xffff;
	[tilespmem:v0+s19+$0xFFFFFFE0 ss:$0x1] =	vst.idx.msk $0xffff, v4  }
0x4c: {  	v6 =	vld.idx.msk [tilespmem:v1+s18+$0xFFFFFFA0 ss:$0x1], $0xffff;
	[tilespmem:v0+s19+$0xFFFFFFF0 ss:$0x1] =	vst.idx.msk $0xffff, v2  }
.Ltmp3:
0x4d: {  	v4 =	vld.idx.msk [tilespmem:v1+s18+$0xFFFFFFB0 ss:$0x1], $0xffff;
	[tilespmem:v0+s19+$0x0 ss:$0x1] =	vst.idx.msk $0xffff, v3;
	(pc) =	sbr.rel @p0 .LBB1_3-.Ltmp3, $4  }
0x4e: {  	v2 =	vld.idx.msk [tilespmem:v1+s18+$0xFFFFFFC0 ss:$0x1], $0xffff;
	[tilespmem:v0+s19+$0x10 ss:$0x1] =	vst.idx.msk $0xffff, v5  }
0x4f: {  	v3 =	vld.idx.msk [tilespmem:v1+s18+$0xFFFFFFD0 ss:$0x1], $0xffff;
	[tilespmem:v0+s19+$0x20 ss:$0x1] =	vst.idx.msk $0xffff, v7;
	s19 =	smov.u32 s18  }
0x50: {  	v5 =	vld.idx.msk [tilespmem:v1+s19+$0xFFFFFFE0 ss:$0x1], $0xffff;
	[tilespmem:v0+s19+$0x30 ss:$0x1] =	vst.idx.msk $0xffff, v8  }
0x51: {  	s18 =	sshra.s32 s20, $0x2;
	s20 =	sadd.s32 $0x200, s20;
	[tilespmem:v0+s19+$0xFFFFFFC0 ss:$0x1] =	vst.idx.msk $0xffff, v9;
	v7 =	vld.idx.msk [tilespmem:v1+s19+$0xFFFFFFF0 ss:$0x1], $0xffff  }
.Ltmp4:
0x52: {  	_ = 	snop;
	(pc) =	sbr.rel .LBB1_4-.Ltmp4, $1  }
0x53: {  	_ =	sdelay $0x3  }
.LBB1_6:
0x54: {  	_ =	sfence.sel $0x180000  }
0x55: {  	s2 =	simm.s32 $0x1;
	[bflag:$0x0] =	sbarrier.arrive $0xFFFF  }
0x56: {  	s31 =	simm.s32 $0x2;
	[sflag:s2] =	ssyncpa.u1 $0x1  }
0x57: {  	[sflag:s31] =	ssyncpa.u1 $0x1  }
0x58: {  	p0 =	sne.s32 s0, $0x0;
	_ =	strace $0x90000050  }
0x59: {  	s0 =	sadd.s32 @!p0 $0x100000, s1;
	[bflag:$0x2] =	sbarrier.arrive $0xFFFF  }
0x5a: {  	[sflag:s0] =	ssyncadd.tile.s32 @!p0 $0x1;
	_ =	shalt  }
.Lfunc_end1:
_tile_overlayer_lowered:
.L_overlay_start_2:
0x5b: {  	(tag) =	ssettag $0x2  }
0x5c: {  	s0 =	rddreg [dreg:$0x0];
	s2 =	stileid.u32  }
0x5d: {  	s1 =	rddreg [dreg:$0x1];
	p0 =	sne.s32 s2, $0x0  }
0x5e: {  	s3 =	rddreg [dreg:$0x2];
	[bflag:$0x3] =	sbarrier.arrive $0xFFFF;
	s2 =	simm.s32 @!p0 $0x1C01  }
0x5f: {  	[timem:s3], [sflag:s2] =	dma.local @!p0 [hbm:s0], s1  }
0x60: {  	s0 =	simm.s32 @!p0 $0x1  }
0x61: {  	_ =	swait.ge @!p0 [sflag:s0], s1  }
0x62: {  	s1 =	ssub.s32 @!p0 $0x0, s1;
	[sflag:s0] =	ssyncset.done @!p0 $0x0  }
0x63: {  	[sflag:s0] =	ssyncadd.s32 @!p0 s1  }
0x64: {  	[bflag:$0x3] =	sbarrier.arrive $0xFFFF  }
0x65: {  	_ =	shalt  }

</sc_bundles>
